<compile_context>
chip_gen: v7x
topology: tpu7x:2x2x1
jax: 0.10.2.dev20260603
libtpu: 0.0.44.dev20260713+nightly
codegen_flags: <defaults>
</compile_context>

<pallas_src>
import jax
import jax.numpy as jnp
from jax import lax
from jax.experimental import pallas as pl
from jax.experimental.pallas import tpu as pltpu
from jax.experimental.pallas import tpu_sc as plsc

N_NODES = 10000
D = 128
NC = 2
NS = 16
NW = NC * NS
K = 128
AROWS = 10240
RPT = AROWS // NS
HR = AROWS // D


def _make_agg(nch: int, with_cnt: bool):
    mesh = plsc.VectorSubcoreMesh(core_axis_name="c", subcore_axis_name="s")
    out_type = [jax.ShapeDtypeStruct((NC * AROWS, D), jnp.float32)]
    scratch = [
        pltpu.VMEM((K,), jnp.int32),
        pltpu.VMEM((K,), jnp.int32),
        pltpu.VMEM((K, D), jnp.float32),
        pltpu.VMEM_SHARED((AROWS, D), jnp.float32),
        pltpu.SemaphoreType.DMA,
    ]
    if with_cnt:
        out_type.append(jax.ShapeDtypeStruct((NC * HR, D), jnp.float32))
        scratch += [
            pltpu.VMEM((HR, D), jnp.float32),
            pltpu.VMEM((HR,), jnp.int32),
            pltpu.VMEM_SHARED((HR, D), jnp.float32),
        ]

    def body(feat, srcm, dstm, zacc, *rest):
        if with_cnt:
            (riota, out, cnt_out,
             src_v, dst_v, rows_v, acc, sem, hist_v, riota_v, cacc) = rest
        else:
            (out, src_v, dst_v, rows_v, acc, sem) = rest
        cid = lax.axis_index("c")
        sid = lax.axis_index("s")
        wid = cid * NS + sid

        pltpu.sync_copy(zacc, rows_v)
        for i in range(RPT // K):
            pltpu.sync_copy(rows_v, acc.at[pl.ds(sid * RPT + i * K, K)])
        if with_cnt:
            pltpu.sync_copy(zacc.at[pl.ds(0, HR)], hist_v)
            pltpu.sync_copy(riota, riota_v)

            @pl.when(sid < HR // 8)
            def _():
                pltpu.sync_copy(rows_v.at[pl.ds(0, 8)],
                                cacc.at[pl.ds(sid * 8, 8)])

        plsc.subcore_barrier()

        ones16 = jnp.ones((16,), jnp.float32)

        def step(j, carry):
            pltpu.sync_copy(srcm.at[pl.ds((wid * nch + j) * K, K)], src_v)
            pltpu.sync_copy(dstm.at[pl.ds((wid * nch + j) * K, K)], dst_v)
            pltpu.async_copy(feat.at[src_v], rows_v, sem).wait()
            pltpu.sync_copy(rows_v, acc.at[dst_v], add=True)
            if with_cnt:
                for t in range(K // 16):
                    idx = dst_v[pl.ds(t * 16, 16)]
                    plsc.addupdate_scatter(
                        hist_v,
                        [lax.shift_right_logical(idx, 7),
                         lax.bitwise_and(idx, 127)],
                        ones16)
            return carry

        lax.fori_loop(0, nch, step, 0)
        if with_cnt:
            pltpu.sync_copy(hist_v, cacc.at[riota_v], add=True)
        plsc.subcore_barrier()

        for i in range(RPT // K):
            pltpu.sync_copy(acc.at[pl.ds(sid * RPT + i * K, K)], rows_v)
            pltpu.sync_copy(rows_v,
                            out.at[pl.ds(cid * AROWS + sid * RPT + i * K, K)])
        if with_cnt:
            @pl.when(sid < HR // 8)
            def _():
                pltpu.sync_copy(cacc.at[pl.ds(sid * 8, 8)],
                                hist_v.at[pl.ds(0, 8)])
                pltpu.sync_copy(hist_v.at[pl.ds(0, 8)],
                                cnt_out.at[pl.ds(cid * HR + sid * 8, 8)])

    return pl.kernel(body, out_type=tuple(out_type), mesh=mesh,
                     scratch_types=scratch,
                     compiler_params=pltpu.CompilerParams(
                         needs_layout_passes=False))


def _combine_body(p0, p1, c0, c1, h, wl, b, wr, o):
    s = p0[...] + p1[...]
    cnt = c0[...] + c1[...]
    mean = s / jnp.maximum(cnt, 1.0)
    o[...] = jnp.maximum(mean @ wl[...] + b[...] + h[...] @ wr[...], 0.0)


def _combine(p0, p1, c0, c1, h, wl, b, wr):
    R = 1000
    grid = (N_NODES // R,)
    return pl.pallas_call(
        _combine_body,
        grid=grid,
        in_specs=[
            pl.BlockSpec((R, D), lambda i: (i, 0)),
            pl.BlockSpec((R, D), lambda i: (i, 0)),
            pl.BlockSpec((R, 1), lambda i: (i, 0)),
            pl.BlockSpec((R, 1), lambda i: (i, 0)),
            pl.BlockSpec((R, D), lambda i: (i, 0)),
            pl.BlockSpec((D, D), lambda i: (0, 0)),
            pl.BlockSpec((1, D), lambda i: (0, 0)),
            pl.BlockSpec((D, D), lambda i: (0, 0)),
        ],
        out_specs=pl.BlockSpec((R, D), lambda i: (i, 0)),
        out_shape=jax.ShapeDtypeStruct((N_NODES, D), jnp.float32),
    )(p0, p1, c0, c1, h, wl, b, wr)


def kernel(x, edge_index, W_l1, b1, W_r1, W_l2, b2, W_r2):
    e = edge_index.shape[1]
    nch = -(-e // (NW * K))
    epad = NW * nch * K
    src = edge_index[0].astype(jnp.int32)
    dst = edge_index[1].astype(jnp.int32)
    pad = epad - e
    srcm = jnp.concatenate([src, jnp.zeros((pad,), jnp.int32)])
    dstm = jnp.concatenate([dst, jnp.full((pad,), N_NODES, jnp.int32)])
    zacc = jnp.zeros((K, D), jnp.float32)
    riota = jnp.arange(HR, dtype=jnp.int32)

    agg1 = _make_agg(nch, with_cnt=True)
    agg2 = _make_agg(nch, with_cnt=False)

    p, cnt = agg1(x, srcm, dstm, zacc, riota)
    cnt = cnt.reshape(NC, AROWS)
    c0 = cnt[0, :N_NODES, None]
    c1 = cnt[1, :N_NODES, None]
    p0 = p[:N_NODES]
    p1 = p[AROWS:AROWS + N_NODES]
    h1 = _combine(p0, p1, c0, c1, x, W_l1, b1.reshape(1, D), W_r1)
    (p2,) = agg2(h1, srcm, dstm, zacc)
    h2 = _combine(p2[:N_NODES], p2[AROWS:AROWS + N_NODES], c0, c1,
                  h1, W_l2, b2.reshape(1, D), W_r2)
    return h2

# --- scband reference (transcript-rebuilt; emitter-appended) ---
"""Pipeline reference for scband-homo-backbone-31293131719110 (READ-ONLY COPY).

The authoritative reference and input builder live on the scoring server;
editing this copy changes nothing except your own understanding.
"""

import jax, jax.numpy as jnp
import numpy as np

N_NODES = 10000
N_EDGES = 320000
D_IN = 128
D_HID = 128


def setup_inputs(seed: int = 0) -> dict:
    key = jax.random.key(seed)
    k = jax.random.split(key, 10)
    x = jax.random.normal(k[0], (N_NODES, D_IN), dtype=jnp.float32)
    edge_index = jax.random.randint(k[1], (2, N_EDGES), 0, N_NODES, dtype=jnp.int64)
    s1 = 1.0 / np.sqrt(D_IN)
    s2 = 1.0 / np.sqrt(D_HID)
    W_l1 = jax.random.uniform(k[2], (D_IN, D_HID), jnp.float32, -s1, s1)
    b1 = jax.random.uniform(k[3], (D_HID,), jnp.float32, -s1, s1)
    W_r1 = jax.random.uniform(k[4], (D_IN, D_HID), jnp.float32, -s1, s1)
    W_l2 = jax.random.uniform(k[5], (D_HID, D_HID), jnp.float32, -s2, s2)
    b2 = jax.random.uniform(k[6], (D_HID,), jnp.float32, -s2, s2)
    W_r2 = jax.random.uniform(k[7], (D_HID, D_HID), jnp.float32, -s2, s2)
    return {"x": x, "edge_index": edge_index, "W_l1": W_l1, "b1": b1, "W_r1": W_r1, "W_l2": W_l2, "b2": b2, "W_r2": W_r2}


def _sage_conv(x, edge_index, W_l, b_l, W_r):
    # PyG SAGEConv (aggr='mean', root_weight=True, bias on lin_l):
    #   out = lin_l(mean_{j in N(i)} x_j) + lin_r(x_i)
    src = edge_index[0]
    dst = edge_index[1]
    msg = jnp.take(x, src, axis=0)                                  # gather [E, d]
    summed = jax.ops.segment_sum(msg, dst, num_segments=N_NODES)    # scatter-add [N, d]
    cnt = jax.ops.segment_sum(jnp.ones((msg.shape[0],), dtype=x.dtype), dst, num_segments=N_NODES)
    mean = summed / jnp.clip(cnt, 1.0, None)[:, None]
    return mean @ W_l + b_l + x @ W_r


def reference(x, edge_index, W_l1, b1, W_r1, W_l2, b2, W_r2):
    # layer 1 + ReLU (dropout p=0.0 is a no-op)
    h = _sage_conv(x, edge_index, W_l1, b1, W_r1)
    h = jax.nn.relu(h)
    # layer 2 + ReLU
    h = _sage_conv(h, edge_index, W_l2, b2, W_r2)
    h = jax.nn.relu(h)
    return h

if __name__ == "__main__":
    import jax
    _d = setup_inputs()
    print(jax.jit(kernel)(*tuple(_d.values())))

</pallas_src>

<mosaic_0001>
#map = affine_map<(d0, d1) -> (0, 0)>
#map1 = affine_map<(d0, d1) -> (0)>
module attributes {stable_mosaic.version = 14 : i64} {
  func.func @body(%arg0: i32, %arg1: i32, %arg2: memref<10000x128xf32, #tpu.memory_space<hbm>>, %arg3: memref<323584xi32, #tpu.memory_space<hbm>>, %arg4: memref<323584xi32, #tpu.memory_space<hbm>>, %arg5: memref<128x128xf32, #tpu.memory_space<hbm>>, %arg6: memref<80xi32, #tpu.memory_space<hbm>>, %arg7: memref<20480x128xf32, #tpu.memory_space<hbm>>, %arg8: memref<160x128xf32, #tpu.memory_space<hbm>>, %arg9: memref<128xi32, #tpu.memory_space<vmem>>, %arg10: memref<128xi32, #tpu.memory_space<vmem>>, %arg11: memref<128x128xf32, #tpu.memory_space<vmem>>, %arg12: memref<10240x128xf32, #tpu.memory_space<vmem_shared>>, %arg13: memref<!tpu.dma_semaphore, #tpu.memory_space<semaphore_mem>>, %arg14: memref<80x128xf32, #tpu.memory_space<vmem>>, %arg15: memref<80xi32, #tpu.memory_space<vmem>>, %arg16: memref<80x128xf32, #tpu.memory_space<vmem_shared>>) attributes {dimension_semantics = [#tpu.dimension_semantics<core_parallel>, #tpu.dimension_semantics<subcore_parallel>], iteration_bounds = array<i64: 2, 16>, scalar_prefetch = 0 : i64, scratch_operands = 8 : i64, tpu.core_type = #tpu.core_type<sc_vector_subcore>, window_params = [{transform_indices = #map}, {transform_indices = #map1}, {transform_indices = #map1}, {transform_indices = #map}, {transform_indices = #map1}, {transform_indices = #map}, {transform_indices = #map}]} {
    %mul3A = arith.constant 16 : i32
    %mul3A_0 = arith.muli %arg0, %mul3A : i32
    %add3A = arith.addi %mul3A_0, %arg1 : i32
    "tpu.region"() ({
      %run_scoped3A = tpu.sem_alloc : memref<!tpu.dma_semaphore, #tpu.memory_space<semaphore_mem>>
      tpu.enqueue_dma source(%arg5 : memref<128x128xf32, #tpu.memory_space<hbm>>) target(%arg11 : memref<128x128xf32, #tpu.memory_space<vmem>>) target_semaphore(%run_scoped3A : memref<!tpu.dma_semaphore, #tpu.memory_space<semaphore_mem>>)
      tpu.wait_dma2 semaphore(%run_scoped3A : memref<!tpu.dma_semaphore, #tpu.memory_space<semaphore_mem>>) src(%arg5 : memref<128x128xf32, #tpu.memory_space<hbm>>) dst(%arg11 : memref<128x128xf32, #tpu.memory_space<vmem>>)
      tpu.yield
    }) : () -> ()
    %mul3A_1 = arith.constant 640 : i32
    %mul3A_2 = arith.muli %arg1, %mul3A_1 : i32
    %add3A_3 = arith.constant 0 : i32
    %add3A_4 = arith.addi %mul3A_2, %add3A_3 : i32
    "tpu.region"() ({
      %run_scoped3A = tpu.sem_alloc : memref<!tpu.dma_semaphore, #tpu.memory_space<semaphore_mem>>
      %dma_start3A = arith.constant 0 : i32
      %dma_start3A_90 = tpu.memref_slice %arg12[%add3A_4, %dma_start3A] : memref<10240x128xf32, #tpu.memory_space<vmem_shared>> -> memref<128x128xf32, #tpu.memory_space<vmem_shared>>
      %dma_start3A_91 = arith.constant 0 : i32
      %dma_start3A_92 = tpu.memref_slice %arg12[%add3A_4, %dma_start3A_91] : memref<10240x128xf32, #tpu.memory_space<vmem_shared>> -> memref<128x128xf32, #tpu.memory_space<vmem_shared>>
      tpu.enqueue_dma source(%arg11 : memref<128x128xf32, #tpu.memory_space<vmem>>) target(%dma_start3A_92 : memref<128x128xf32, #tpu.memory_space<vmem_shared>>) target_semaphore(%run_scoped3A : memref<!tpu.dma_semaphore, #tpu.memory_space<semaphore_mem>>)
      %dma_wait3A = arith.constant 0 : i32
      %dma_wait3A_93 = tpu.memref_slice %arg12[%add3A_4, %dma_wait3A] : memref<10240x128xf32, #tpu.memory_space<vmem_shared>> -> memref<128x128xf32, #tpu.memory_space<vmem_shared>>
      %dma_wait3A_94 = arith.constant 0 : i32
      %dma_wait3A_95 = tpu.memref_slice %arg12[%add3A_4, %dma_wait3A_94] : memref<10240x128xf32, #tpu.memory_space<vmem_shared>> -> memref<128x128xf32, #tpu.memory_space<vmem_shared>>
      tpu.wait_dma2 semaphore(%run_scoped3A : memref<!tpu.dma_semaphore, #tpu.memory_space<semaphore_mem>>) src(%arg11 : memref<128x128xf32, #tpu.memory_space<vmem>>) dst(%dma_wait3A_95 : memref<128x128xf32, #tpu.memory_space<vmem_shared>>)
      tpu.yield
    }) : () -> ()
    %mul3A_5 = arith.constant 640 : i32
    %mul3A_6 = arith.muli %arg1, %mul3A_5 : i32
    %add3A_7 = arith.constant 128 : i32
    %add3A_8 = arith.addi %mul3A_6, %add3A_7 : i32
    "tpu.region"() ({
      %run_scoped3A = tpu.sem_alloc : memref<!tpu.dma_semaphore, #tpu.memory_space<semaphore_mem>>
      %dma_start3A = arith.constant 0 : i32
      %dma_start3A_90 = tpu.memref_slice %arg12[%add3A_8, %dma_start3A] : memref<10240x128xf32, #tpu.memory_space<vmem_shared>> -> memref<128x128xf32, #tpu.memory_space<vmem_shared>>
      %dma_start3A_91 = arith.constant 0 : i32
      %dma_start3A_92 = tpu.memref_slice %arg12[%add3A_8, %dma_start3A_91] : memref<10240x128xf32, #tpu.memory_space<vmem_shared>> -> memref<128x128xf32, #tpu.memory_space<vmem_shared>>
      tpu.enqueue_dma source(%arg11 : memref<128x128xf32, #tpu.memory_space<vmem>>) target(%dma_start3A_92 : memref<128x128xf32, #tpu.memory_space<vmem_shared>>) target_semaphore(%run_scoped3A : memref<!tpu.dma_semaphore, #tpu.memory_space<semaphore_mem>>)
      %dma_wait3A = arith.constant 0 : i32
      %dma_wait3A_93 = tpu.memref_slice %arg12[%add3A_8, %dma_wait3A] : memref<10240x128xf32, #tpu.memory_space<vmem_shared>> -> memref<128x128xf32, #tpu.memory_space<vmem_shared>>
      %dma_wait3A_94 = arith.constant 0 : i32
      %dma_wait3A_95 = tpu.memref_slice %arg12[%add3A_8, %dma_wait3A_94] : memref<10240x128xf32, #tpu.memory_space<vmem_shared>> -> memref<128x128xf32, #tpu.memory_space<vmem_shared>>
      tpu.wait_dma2 semaphore(%run_scoped3A : memref<!tpu.dma_semaphore, #tpu.memory_space<semaphore_mem>>) src(%arg11 : memref<128x128xf32, #tpu.memory_space<vmem>>) dst(%dma_wait3A_95 : memref<128x128xf32, #tpu.memory_space<vmem_shared>>)
      tpu.yield
    }) : () -> ()
    %mul3A_9 = arith.constant 640 : i32
    %mul3A_10 = arith.muli %arg1, %mul3A_9 : i32
    %add3A_11 = arith.constant 256 : i32
    %add3A_12 = arith.addi %mul3A_10, %add3A_11 : i32
    "tpu.region"() ({
      %run_scoped3A = tpu.sem_alloc : memref<!tpu.dma_semaphore, #tpu.memory_space<semaphore_mem>>
      %dma_start3A = arith.constant 0 : i32
      %dma_start3A_90 = tpu.memref_slice %arg12[%add3A_12, %dma_start3A] : memref<10240x128xf32, #tpu.memory_space<vmem_shared>> -> memref<128x128xf32, #tpu.memory_space<vmem_shared>>
      %dma_start3A_91 = arith.constant 0 : i32
      %dma_start3A_92 = tpu.memref_slice %arg12[%add3A_12, %dma_start3A_91] : memref<10240x128xf32, #tpu.memory_space<vmem_shared>> -> memref<128x128xf32, #tpu.memory_space<vmem_shared>>
      tpu.enqueue_dma source(%arg11 : memref<128x128xf32, #tpu.memory_space<vmem>>) target(%dma_start3A_92 : memref<128x128xf32, #tpu.memory_space<vmem_shared>>) target_semaphore(%run_scoped3A : memref<!tpu.dma_semaphore, #tpu.memory_space<semaphore_mem>>)
      %dma_wait3A = arith.constant 0 : i32
      %dma_wait3A_93 = tpu.memref_slice %arg12[%add3A_12, %dma_wait3A] : memref<10240x128xf32, #tpu.memory_space<vmem_shared>> -> memref<128x128xf32, #tpu.memory_space<vmem_shared>>
      %dma_wait3A_94 = arith.constant 0 : i32
      %dma_wait3A_95 = tpu.memref_slice %arg12[%add3A_12, %dma_wait3A_94] : memref<10240x128xf32, #tpu.memory_space<vmem_shared>> -> memref<128x128xf32, #tpu.memory_space<vmem_shared>>
      tpu.wait_dma2 semaphore(%run_scoped3A : memref<!tpu.dma_semaphore, #tpu.memory_space<semaphore_mem>>) src(%arg11 : memref<128x128xf32, #tpu.memory_space<vmem>>) dst(%dma_wait3A_95 : memref<128x128xf32, #tpu.memory_space<vmem_shared>>)
      tpu.yield
    }) : () -> ()
    %mul3A_13 = arith.constant 640 : i32
    %mul3A_14 = arith.muli %arg1, %mul3A_13 : i32
    %add3A_15 = arith.constant 384 : i32
    %add3A_16 = arith.addi %mul3A_14, %add3A_15 : i32
    "tpu.region"() ({
      %run_scoped3A = tpu.sem_alloc : memref<!tpu.dma_semaphore, #tpu.memory_space<semaphore_mem>>
      %dma_start3A = arith.constant 0 : i32
      %dma_start3A_90 = tpu.memref_slice %arg12[%add3A_16, %dma_start3A] : memref<10240x128xf32, #tpu.memory_space<vmem_shared>> -> memref<128x128xf32, #tpu.memory_space<vmem_shared>>
      %dma_start3A_91 = arith.constant 0 : i32
      %dma_start3A_92 = tpu.memref_slice %arg12[%add3A_16, %dma_start3A_91] : memref<10240x128xf32, #tpu.memory_space<vmem_shared>> -> memref<128x128xf32, #tpu.memory_space<vmem_shared>>
      tpu.enqueue_dma source(%arg11 : memref<128x128xf32, #tpu.memory_space<vmem>>) target(%dma_start3A_92 : memref<128x128xf32, #tpu.memory_space<vmem_shared>>) target_semaphore(%run_scoped3A : memref<!tpu.dma_semaphore, #tpu.memory_space<semaphore_mem>>)
      %dma_wait3A = arith.constant 0 : i32
      %dma_wait3A_93 = tpu.memref_slice %arg12[%add3A_16, %dma_wait3A] : memref<10240x128xf32, #tpu.memory_space<vmem_shared>> -> memref<128x128xf32, #tpu.memory_space<vmem_shared>>
      %dma_wait3A_94 = arith.constant 0 : i32
      %dma_wait3A_95 = tpu.memref_slice %arg12[%add3A_16, %dma_wait3A_94] : memref<10240x128xf32, #tpu.memory_space<vmem_shared>> -> memref<128x128xf32, #tpu.memory_space<vmem_shared>>
      tpu.wait_dma2 semaphore(%run_scoped3A : memref<!tpu.dma_semaphore, #tpu.memory_space<semaphore_mem>>) src(%arg11 : memref<128x128xf32, #tpu.memory_space<vmem>>) dst(%dma_wait3A_95 : memref<128x128xf32, #tpu.memory_space<vmem_shared>>)
      tpu.yield
    }) : () -> ()
    %mul3A_17 = arith.constant 640 : i32
    %mul3A_18 = arith.muli %arg1, %mul3A_17 : i32
    %add3A_19 = arith.constant 512 : i32
    %add3A_20 = arith.addi %mul3A_18, %add3A_19 : i32
    "tpu.region"() ({
      %run_scoped3A = tpu.sem_alloc : memref<!tpu.dma_semaphore, #tpu.memory_space<semaphore_mem>>
      %dma_start3A = arith.constant 0 : i32
      %dma_start3A_90 = tpu.memref_slice %arg12[%add3A_20, %dma_start3A] : memref<10240x128xf32, #tpu.memory_space<vmem_shared>> -> memref<128x128xf32, #tpu.memory_space<vmem_shared>>
      %dma_start3A_91 = arith.constant 0 : i32
      %dma_start3A_92 = tpu.memref_slice %arg12[%add3A_20, %dma_start3A_91] : memref<10240x128xf32, #tpu.memory_space<vmem_shared>> -> memref<128x128xf32, #tpu.memory_space<vmem_shared>>
      tpu.enqueue_dma source(%arg11 : memref<128x128xf32, #tpu.memory_space<vmem>>) target(%dma_start3A_92 : memref<128x128xf32, #tpu.memory_space<vmem_shared>>) target_semaphore(%run_scoped3A : memref<!tpu.dma_semaphore, #tpu.memory_space<semaphore_mem>>)
      %dma_wait3A = arith.constant 0 : i32
      %dma_wait3A_93 = tpu.memref_slice %arg12[%add3A_20, %dma_wait3A] : memref<10240x128xf32, #tpu.memory_space<vmem_shared>> -> memref<128x128xf32, #tpu.memory_space<vmem_shared>>
      %dma_wait3A_94 = arith.constant 0 : i32
      %dma_wait3A_95 = tpu.memref_slice %arg12[%add3A_20, %dma_wait3A_94] : memref<10240x128xf32, #tpu.memory_space<vmem_shared>> -> memref<128x128xf32, #tpu.memory_space<vmem_shared>>
      tpu.wait_dma2 semaphore(%run_scoped3A : memref<!tpu.dma_semaphore, #tpu.memory_space<semaphore_mem>>) src(%arg11 : memref<128x128xf32, #tpu.memory_space<vmem>>) dst(%dma_wait3A_95 : memref<128x128xf32, #tpu.memory_space<vmem_shared>>)
      tpu.yield
    }) : () -> ()
    "tpu.region"() ({
      %run_scoped3A = tpu.sem_alloc : memref<!tpu.dma_semaphore, #tpu.memory_space<semaphore_mem>>
      %dma_start3A = arith.constant 0 : i32
      %dma_start3A_90 = arith.constant 0 : i32
      %dma_start3A_91 = tpu.memref_slice %arg5[%dma_start3A, %dma_start3A_90] : memref<128x128xf32, #tpu.memory_space<hbm>> -> memref<80x128xf32, #tpu.memory_space<hbm>>
      %dma_start3A_92 = arith.constant 0 : i32
      %dma_start3A_93 = arith.constant 0 : i32
      %dma_start3A_94 = tpu.memref_slice %arg5[%dma_start3A_92, %dma_start3A_93] : memref<128x128xf32, #tpu.memory_space<hbm>> -> memref<80x128xf32, #tpu.memory_space<hbm>>
      tpu.enqueue_dma source(%dma_start3A_94 : memref<80x128xf32, #tpu.memory_space<hbm>>) target(%arg14 : memref<80x128xf32, #tpu.memory_space<vmem>>) target_semaphore(%run_scoped3A : memref<!tpu.dma_semaphore, #tpu.memory_space<semaphore_mem>>)
      %dma_wait3A = arith.constant 0 : i32
      %dma_wait3A_95 = arith.constant 0 : i32
      %dma_wait3A_96 = tpu.memref_slice %arg5[%dma_wait3A, %dma_wait3A_95] : memref<128x128xf32, #tpu.memory_space<hbm>> -> memref<80x128xf32, #tpu.memory_space<hbm>>
      %dma_wait3A_97 = arith.constant 0 : i32
      %dma_wait3A_98 = arith.constant 0 : i32
      %dma_wait3A_99 = tpu.memref_slice %arg5[%dma_wait3A_97, %dma_wait3A_98] : memref<128x128xf32, #tpu.memory_space<hbm>> -> memref<80x128xf32, #tpu.memory_space<hbm>>
      tpu.wait_dma2 semaphore(%run_scoped3A : memref<!tpu.dma_semaphore, #tpu.memory_space<semaphore_mem>>) src(%dma_wait3A_99 : memref<80x128xf32, #tpu.memory_space<hbm>>) dst(%arg14 : memref<80x128xf32, #tpu.memory_space<vmem>>)
      tpu.yield
    }) : () -> ()
    "tpu.region"() ({
      %run_scoped3A = tpu.sem_alloc : memref<!tpu.dma_semaphore, #tpu.memory_space<semaphore_mem>>
      tpu.enqueue_dma source(%arg6 : memref<80xi32, #tpu.memory_space<hbm>>) target(%arg15 : memref<80xi32, #tpu.memory_space<vmem>>) target_semaphore(%run_scoped3A : memref<!tpu.dma_semaphore, #tpu.memory_space<semaphore_mem>>)
      tpu.wait_dma2 semaphore(%run_scoped3A : memref<!tpu.dma_semaphore, #tpu.memory_space<semaphore_mem>>) src(%arg6 : memref<80xi32, #tpu.memory_space<hbm>>) dst(%arg15 : memref<80xi32, #tpu.memory_space<vmem>>)
      tpu.yield
    }) : () -> ()
    %lt3A = arith.constant 10 : i32
    %lt3A_21 = arith.cmpi slt, %arg1, %lt3A : i32
    %convert_element_type3A = arith.extui %lt3A_21 : i1 to i32
    %cond3A = arith.constant 0 : i32
    %cond3A_22 = arith.cmpi ne, %convert_element_type3A, %cond3A : i32
    scf.if %cond3A_22 {
      %mul3A_90 = arith.constant 8 : i32
      %mul3A_91 = arith.muli %arg1, %mul3A_90 : i32
      "tpu.region"() ({
        %run_scoped3A = tpu.sem_alloc : memref<!tpu.dma_semaphore, #tpu.memory_space<semaphore_mem>>
        %dma_start3A = arith.constant 0 : i32
        %dma_start3A_92 = arith.constant 0 : i32
        %dma_start3A_93 = tpu.memref_slice %arg11[%dma_start3A, %dma_start3A_92] : memref<128x128xf32, #tpu.memory_space<vmem>> -> memref<8x128xf32, #tpu.memory_space<vmem>>
        %dma_start3A_94 = arith.constant 0 : i32
        %dma_start3A_95 = tpu.memref_slice %arg16[%mul3A_91, %dma_start3A_94] : memref<80x128xf32, #tpu.memory_space<vmem_shared>> -> memref<8x128xf32, #tpu.memory_space<vmem_shared>>
        %dma_start3A_96 = arith.constant 0 : i32
        %dma_start3A_97 = tpu.memref_slice %arg16[%mul3A_91, %dma_start3A_96] : memref<80x128xf32, #tpu.memory_space<vmem_shared>> -> memref<8x128xf32, #tpu.memory_space<vmem_shared>>
        %dma_start3A_98 = arith.constant 0 : i32
        %dma_start3A_99 = arith.constant 0 : i32
        %dma_start3A_100 = tpu.memref_slice %arg11[%dma_start3A_98, %dma_start3A_99] : memref<128x128xf32, #tpu.memory_space<vmem>> -> memref<8x128xf32, #tpu.memory_space<vmem>>
        tpu.enqueue_dma source(%dma_start3A_100 : memref<8x128xf32, #tpu.memory_space<vmem>>) target(%dma_start3A_97 : memref<8x128xf32, #tpu.memory_space<vmem_shared>>) target_semaphore(%run_scoped3A : memref<!tpu.dma_semaphore, #tpu.memory_space<semaphore_mem>>)
        %dma_wait3A = arith.constant 0 : i32
        %dma_wait3A_101 = arith.constant 0 : i32
        %dma_wait3A_102 = tpu.memref_slice %arg11[%dma_wait3A, %dma_wait3A_101] : memref<128x128xf32, #tpu.memory_space<vmem>> -> memref<8x128xf32, #tpu.memory_space<vmem>>
        %dma_wait3A_103 = arith.constant 0 : i32
        %dma_wait3A_104 = tpu.memref_slice %arg16[%mul3A_91, %dma_wait3A_103] : memref<80x128xf32, #tpu.memory_space<vmem_shared>> -> memref<8x128xf32, #tpu.memory_space<vmem_shared>>
        %dma_wait3A_105 = arith.constant 0 : i32
        %dma_wait3A_106 = tpu.memref_slice %arg16[%mul3A_91, %dma_wait3A_105] : memref<80x128xf32, #tpu.memory_space<vmem_shared>> -> memref<8x128xf32, #tpu.memory_space<vmem_shared>>
        %dma_wait3A_107 = arith.constant 0 : i32
        %dma_wait3A_108 = arith.constant 0 : i32
        %dma_wait3A_109 = tpu.memref_slice %arg11[%dma_wait3A_107, %dma_wait3A_108] : memref<128x128xf32, #tpu.memory_space<vmem>> -> memref<8x128xf32, #tpu.memory_space<vmem>>
        tpu.wait_dma2 semaphore(%run_scoped3A : memref<!tpu.dma_semaphore, #tpu.memory_space<semaphore_mem>>) src(%dma_wait3A_109 : memref<8x128xf32, #tpu.memory_space<vmem>>) dst(%dma_wait3A_106 : memref<8x128xf32, #tpu.memory_space<vmem_shared>>)
        tpu.yield
      }) : () -> ()
    } else {
    }
    %barrier3A = arith.constant 0 : index
    tpu.barrier barrier_id(%barrier3A)
    %broadcast_in_dim3A = arith.constant 1.000000e+00 : f32
    %broadcast_in_dim3A_23 = vector.broadcast %broadcast_in_dim3A : f32 to vector<16xf32>
    %scan3A = arith.constant 0 : i32
    %scan3A_24 = arith.constant 0 : i32
    %scan3A_25 = arith.constant 79 : i32
    %scan3A_26 = arith.addi %scan3A_24, %scan3A_25 : i32
    %scan3A_27 = arith.constant 1 : i32
    scf.for %scan3A_90 = %scan3A_24 to %scan3A_26 step %scan3A_27  : i32 {
      %mul3A_91 = arith.constant 79 : i32
      %mul3A_92 = arith.muli %add3A, %mul3A_91 : i32
      %add3A_93 = arith.addi %mul3A_92, %scan3A_90 : i32
      %mul3A_94 = arith.constant 128 : i32
      %mul3A_95 = arith.muli %add3A_93, %mul3A_94 : i32
      "tpu.region"() ({
        %run_scoped3A = tpu.sem_alloc : memref<!tpu.dma_semaphore, #tpu.memory_space<semaphore_mem>>
        %dma_start3A_166 = tpu.memref_slice %arg3[%mul3A_95] : memref<323584xi32, #tpu.memory_space<hbm>> -> memref<128xi32, #tpu.memory_space<hbm>>
        %dma_start3A_167 = tpu.memref_slice %arg3[%mul3A_95] : memref<323584xi32, #tpu.memory_space<hbm>> -> memref<128xi32, #tpu.memory_space<hbm>>
        tpu.enqueue_dma source(%dma_start3A_167 : memref<128xi32, #tpu.memory_space<hbm>>) target(%arg9 : memref<128xi32, #tpu.memory_space<vmem>>) target_semaphore(%run_scoped3A : memref<!tpu.dma_semaphore, #tpu.memory_space<semaphore_mem>>)
        %dma_wait3A_168 = tpu.memref_slice %arg3[%mul3A_95] : memref<323584xi32, #tpu.memory_space<hbm>> -> memref<128xi32, #tpu.memory_space<hbm>>
        %dma_wait3A_169 = tpu.memref_slice %arg3[%mul3A_95] : memref<323584xi32, #tpu.memory_space<hbm>> -> memref<128xi32, #tpu.memory_space<hbm>>
        tpu.wait_dma2 semaphore(%run_scoped3A : memref<!tpu.dma_semaphore, #tpu.memory_space<semaphore_mem>>) src(%dma_wait3A_169 : memref<128xi32, #tpu.memory_space<hbm>>) dst(%arg9 : memref<128xi32, #tpu.memory_space<vmem>>)
        tpu.yield
      }) : () -> ()
      %mul3A_96 = arith.constant 79 : i32
      %mul3A_97 = arith.muli %add3A, %mul3A_96 : i32
      %add3A_98 = arith.addi %mul3A_97, %scan3A_90 : i32
      %mul3A_99 = arith.constant 128 : i32
      %mul3A_100 = arith.muli %add3A_98, %mul3A_99 : i32
      "tpu.region"() ({
        %run_scoped3A = tpu.sem_alloc : memref<!tpu.dma_semaphore, #tpu.memory_space<semaphore_mem>>
        %dma_start3A_166 = tpu.memref_slice %arg4[%mul3A_100] : memref<323584xi32, #tpu.memory_space<hbm>> -> memref<128xi32, #tpu.memory_space<hbm>>
        %dma_start3A_167 = tpu.memref_slice %arg4[%mul3A_100] : memref<323584xi32, #tpu.memory_space<hbm>> -> memref<128xi32, #tpu.memory_space<hbm>>
        tpu.enqueue_dma source(%dma_start3A_167 : memref<128xi32, #tpu.memory_space<hbm>>) target(%arg10 : memref<128xi32, #tpu.memory_space<vmem>>) target_semaphore(%run_scoped3A : memref<!tpu.dma_semaphore, #tpu.memory_space<semaphore_mem>>)
        %dma_wait3A_168 = tpu.memref_slice %arg4[%mul3A_100] : memref<323584xi32, #tpu.memory_space<hbm>> -> memref<128xi32, #tpu.memory_space<hbm>>
        %dma_wait3A_169 = tpu.memref_slice %arg4[%mul3A_100] : memref<323584xi32, #tpu.memory_space<hbm>> -> memref<128xi32, #tpu.memory_space<hbm>>
        tpu.wait_dma2 semaphore(%run_scoped3A : memref<!tpu.dma_semaphore, #tpu.memory_space<semaphore_mem>>) src(%dma_wait3A_169 : memref<128xi32, #tpu.memory_space<hbm>>) dst(%arg10 : memref<128xi32, #tpu.memory_space<vmem>>)
        tpu.yield
      }) : () -> ()
      %dma_start3A = arith.constant 0 : i32
      %dma_start3A_101 = arith.constant 0 : i32
      %dma_start3A_102 = tpu.memref_slice %arg2[%dma_start3A, %dma_start3A_101] : memref<10000x128xf32, #tpu.memory_space<hbm>> -> memref<10000x128xf32, #tpu.memory_space<hbm>>
      tpu.enqueue_indirect_dma source(%dma_start3A_102 : memref<10000x128xf32, #tpu.memory_space<hbm>>) target(%arg11 : memref<128x128xf32, #tpu.memory_space<vmem>>) offsets(%arg9 : memref<128xi32, #tpu.memory_space<vmem>>) semaphore(%arg13 : memref<!tpu.dma_semaphore, #tpu.memory_space<semaphore_mem>>)
      %dma_wait3A = arith.constant 0 : i32
      %dma_wait3A_103 = arith.constant 0 : i32
      %dma_wait3A_104 = tpu.memref_slice %arg2[%dma_wait3A, %dma_wait3A_103] : memref<10000x128xf32, #tpu.memory_space<hbm>> -> memref<10000x128xf32, #tpu.memory_space<hbm>>
      tpu.wait_indirect_dma semaphore(%arg13 : memref<!tpu.dma_semaphore, #tpu.memory_space<semaphore_mem>>) src(%dma_wait3A_104 : memref<10000x128xf32, #tpu.memory_space<hbm>>) dst(%arg11 : memref<128x128xf32, #tpu.memory_space<vmem>>)
      "tpu.region"() ({
        %run_scoped3A = tpu.sem_alloc : memref<!tpu.dma_semaphore, #tpu.memory_space<semaphore_mem>>
        %dma_start3A_166 = arith.constant 0 : i32
        %dma_start3A_167 = arith.constant 0 : i32
        %dma_start3A_168 = tpu.memref_slice %arg12[%dma_start3A_166, %dma_start3A_167] : memref<10240x128xf32, #tpu.memory_space<vmem_shared>> -> memref<10240x128xf32, #tpu.memory_space<vmem_shared>>
        tpu.enqueue_indirect_dma source(%arg11 : memref<128x128xf32, #tpu.memory_space<vmem>>) target(%dma_start3A_168 : memref<10240x128xf32, #tpu.memory_space<vmem_shared>>) offsets(%arg10 : memref<128xi32, #tpu.memory_space<vmem>>) semaphore(%run_scoped3A : memref<!tpu.dma_semaphore, #tpu.memory_space<semaphore_mem>>) {add = true}
        %dma_wait3A_169 = arith.constant 0 : i32
        %dma_wait3A_170 = arith.constant 0 : i32
        %dma_wait3A_171 = tpu.memref_slice %arg12[%dma_wait3A_169, %dma_wait3A_170] : memref<10240x128xf32, #tpu.memory_space<vmem_shared>> -> memref<10240x128xf32, #tpu.memory_space<vmem_shared>>
        tpu.wait_indirect_dma semaphore(%run_scoped3A : memref<!tpu.dma_semaphore, #tpu.memory_space<semaphore_mem>>) src(%arg11 : memref<128x128xf32, #tpu.memory_space<vmem>>) dst(%dma_wait3A_171 : memref<10240x128xf32, #tpu.memory_space<vmem_shared>>)
        tpu.yield
      }) : () -> ()
      %get3A = arith.constant 0 : index
      %get3A_105 = tpu.vector_load %arg10[%get3A] {strides = array<i32>} : memref<128xi32, #tpu.memory_space<vmem>>, vector<16xi32>,
      %shift_right_logical3A = arith.constant 7 : i32
      %shift_right_logical3A_106 = vector.broadcast %shift_right_logical3A : i32 to vector<16xi32>
      %shift_right_logical3A_107 = arith.shrui %get3A_105, %shift_right_logical3A_106 : vector<16xi32>
      %and3A = arith.constant 127 : i32
      %and3A_108 = vector.broadcast %and3A : i32 to vector<16xi32>
      %and3A_109 = arith.andi %get3A_105, %and3A_108 : vector<16xi32>
      tpu.vector_store_idx %arg14[%shift_right_logical3A_107, %and3A_109], %broadcast_in_dim3A_23 {add = true} : memref<80x128xf32, #tpu.memory_space<vmem>>[vector<16xi32>, vector<16xi32>], vector<16xf32>,
      %get3A_110 = arith.constant 16 : index
      %get3A_111 = tpu.vector_load %arg10[%get3A_110] {strides = array<i32>} : memref<128xi32, #tpu.memory_space<vmem>>, vector<16xi32>,
      %shift_right_logical3A_112 = arith.constant 7 : i32
      %shift_right_logical3A_113 = vector.broadcast %shift_right_logical3A_112 : i32 to vector<16xi32>
      %shift_right_logical3A_114 = arith.shrui %get3A_111, %shift_right_logical3A_113 : vector<16xi32>
      %and3A_115 = arith.constant 127 : i32
      %and3A_116 = vector.broadcast %and3A_115 : i32 to vector<16xi32>
      %and3A_117 = arith.andi %get3A_111, %and3A_116 : vector<16xi32>
      tpu.vector_store_idx %arg14[%shift_right_logical3A_114, %and3A_117], %broadcast_in_dim3A_23 {add = true} : memref<80x128xf32, #tpu.memory_space<vmem>>[vector<16xi32>, vector<16xi32>], vector<16xf32>,
      %get3A_118 = arith.constant 32 : index
      %get3A_119 = tpu.vector_load %arg10[%get3A_118] {strides = array<i32>} : memref<128xi32, #tpu.memory_space<vmem>>, vector<16xi32>,
      %shift_right_logical3A_120 = arith.constant 7 : i32
      %shift_right_logical3A_121 = vector.broadcast %shift_right_logical3A_120 : i32 to vector<16xi32>
      %shift_right_logical3A_122 = arith.shrui %get3A_119, %shift_right_logical3A_121 : vector<16xi32>
      %and3A_123 = arith.constant 127 : i32
      %and3A_124 = vector.broadcast %and3A_123 : i32 to vector<16xi32>
      %and3A_125 = arith.andi %get3A_119, %and3A_124 : vector<16xi32>
      tpu.vector_store_idx %arg14[%shift_right_logical3A_122, %and3A_125], %broadcast_in_dim3A_23 {add = true} : memref<80x128xf32, #tpu.memory_space<vmem>>[vector<16xi32>, vector<16xi32>], vector<16xf32>,
      %get3A_126 = arith.constant 48 : index
      %get3A_127 = tpu.vector_load %arg10[%get3A_126] {strides = array<i32>} : memref<128xi32, #tpu.memory_space<vmem>>, vector<16xi32>,
      %shift_right_logical3A_128 = arith.constant 7 : i32
      %shift_right_logical3A_129 = vector.broadcast %shift_right_logical3A_128 : i32 to vector<16xi32>
      %shift_right_logical3A_130 = arith.shrui %get3A_127, %shift_right_logical3A_129 : vector<16xi32>
      %and3A_131 = arith.constant 127 : i32
      %and3A_132 = vector.broadcast %and3A_131 : i32 to vector<16xi32>
      %and3A_133 = arith.andi %get3A_127, %and3A_132 : vector<16xi32>
      tpu.vector_store_idx %arg14[%shift_right_logical3A_130, %and3A_133], %broadcast_in_dim3A_23 {add = true} : memref<80x128xf32, #tpu.memory_space<vmem>>[vector<16xi32>, vector<16xi32>], vector<16xf32>,
      %get3A_134 = arith.constant 64 : index
      %get3A_135 = tpu.vector_load %arg10[%get3A_134] {strides = array<i32>} : memref<128xi32, #tpu.memory_space<vmem>>, vector<16xi32>,
      %shift_right_logical3A_136 = arith.constant 7 : i32
      %shift_right_logical3A_137 = vector.broadcast %shift_right_logical3A_136 : i32 to vector<16xi32>
      %shift_right_logical3A_138 = arith.shrui %get3A_135, %shift_right_logical3A_137 : vector<16xi32>
      %and3A_139 = arith.constant 127 : i32
      %and3A_140 = vector.broadcast %and3A_139 : i32 to vector<16xi32>
      %and3A_141 = arith.andi %get3A_135, %and3A_140 : vector<16xi32>
      tpu.vector_store_idx %arg14[%shift_right_logical3A_138, %and3A_141], %broadcast_in_dim3A_23 {add = true} : memref<80x128xf32, #tpu.memory_space<vmem>>[vector<16xi32>, vector<16xi32>], vector<16xf32>,
      %get3A_142 = arith.constant 80 : index
      %get3A_143 = tpu.vector_load %arg10[%get3A_142] {strides = array<i32>} : memref<128xi32, #tpu.memory_space<vmem>>, vector<16xi32>,
      %shift_right_logical3A_144 = arith.constant 7 : i32
      %shift_right_logical3A_145 = vector.broadcast %shift_right_logical3A_144 : i32 to vector<16xi32>
      %shift_right_logical3A_146 = arith.shrui %get3A_143, %shift_right_logical3A_145 : vector<16xi32>
      %and3A_147 = arith.constant 127 : i32
      %and3A_148 = vector.broadcast %and3A_147 : i32 to vector<16xi32>
      %and3A_149 = arith.andi %get3A_143, %and3A_148 : vector<16xi32>
      tpu.vector_store_idx %arg14[%shift_right_logical3A_146, %and3A_149], %broadcast_in_dim3A_23 {add = true} : memref<80x128xf32, #tpu.memory_space<vmem>>[vector<16xi32>, vector<16xi32>], vector<16xf32>,
      %get3A_150 = arith.constant 96 : index
      %get3A_151 = tpu.vector_load %arg10[%get3A_150] {strides = array<i32>} : memref<128xi32, #tpu.memory_space<vmem>>, vector<16xi32>,
      %shift_right_logical3A_152 = arith.constant 7 : i32
      %shift_right_logical3A_153 = vector.broadcast %shift_right_logical3A_152 : i32 to vector<16xi32>
      %shift_right_logical3A_154 = arith.shrui %get3A_151, %shift_right_logical3A_153 : vector<16xi32>
      %and3A_155 = arith.constant 127 : i32
      %and3A_156 = vector.broadcast %and3A_155 : i32 to vector<16xi32>
      %and3A_157 = arith.andi %get3A_151, %and3A_156 : vector<16xi32>
      tpu.vector_store_idx %arg14[%shift_right_logical3A_154, %and3A_157], %broadcast_in_dim3A_23 {add = true} : memref<80x128xf32, #tpu.memory_space<vmem>>[vector<16xi32>, vector<16xi32>], vector<16xf32>,
      %get3A_158 = arith.constant 112 : index
      %get3A_159 = tpu.vector_load %arg10[%get3A_158] {strides = array<i32>} : memref<128xi32, #tpu.memory_space<vmem>>, vector<16xi32>,
      %shift_right_logical3A_160 = arith.constant 7 : i32
      %shift_right_logical3A_161 = vector.broadcast %shift_right_logical3A_160 : i32 to vector<16xi32>
      %shift_right_logical3A_162 = arith.shrui %get3A_159, %shift_right_logical3A_161 : vector<16xi32>
      %and3A_163 = arith.constant 127 : i32
      %and3A_164 = vector.broadcast %and3A_163 : i32 to vector<16xi32>
      %and3A_165 = arith.andi %get3A_159, %and3A_164 : vector<16xi32>
      tpu.vector_store_idx %arg14[%shift_right_logical3A_162, %and3A_165], %broadcast_in_dim3A_23 {add = true} : memref<80x128xf32, #tpu.memory_space<vmem>>[vector<16xi32>, vector<16xi32>], vector<16xf32>,
    }
    %scan3A_28 = arith.constant 79 : i32
    "tpu.region"() ({
      %run_scoped3A = tpu.sem_alloc : memref<!tpu.dma_semaphore, #tpu.memory_space<semaphore_mem>>
      %dma_start3A = arith.constant 0 : i32
      %dma_start3A_90 = arith.constant 0 : i32
      %dma_start3A_91 = tpu.memref_slice %arg16[%dma_start3A, %dma_start3A_90] : memref<80x128xf32, #tpu.memory_space<vmem_shared>> -> memref<80x128xf32, #tpu.memory_space<vmem_shared>>
      tpu.enqueue_indirect_dma source(%arg14 : memref<80x128xf32, #tpu.memory_space<vmem>>) target(%dma_start3A_91 : memref<80x128xf32, #tpu.memory_space<vmem_shared>>) offsets(%arg15 : memref<80xi32, #tpu.memory_space<vmem>>) semaphore(%run_scoped3A : memref<!tpu.dma_semaphore, #tpu.memory_space<semaphore_mem>>) {add = true}
      %dma_wait3A = arith.constant 0 : i32
      %dma_wait3A_92 = arith.constant 0 : i32
      %dma_wait3A_93 = tpu.memref_slice %arg16[%dma_wait3A, %dma_wait3A_92] : memref<80x128xf32, #tpu.memory_space<vmem_shared>> -> memref<80x128xf32, #tpu.memory_space<vmem_shared>>
      tpu.wait_indirect_dma semaphore(%run_scoped3A : memref<!tpu.dma_semaphore, #tpu.memory_space<semaphore_mem>>) src(%arg14 : memref<80x128xf32, #tpu.memory_space<vmem>>) dst(%dma_wait3A_93 : memref<80x128xf32, #tpu.memory_space<vmem_shared>>)
      tpu.yield
    }) : () -> ()
    %barrier3A_29 = arith.constant 0 : index
    tpu.barrier barrier_id(%barrier3A_29)
    %mul3A_30 = arith.constant 640 : i32
    %mul3A_31 = arith.muli %arg1, %mul3A_30 : i32
    %add3A_32 = arith.constant 0 : i32
    %add3A_33 = arith.addi %mul3A_31, %add3A_32 : i32
    "tpu.region"() ({
      %run_scoped3A = tpu.sem_alloc : memref<!tpu.dma_semaphore, #tpu.memory_space<semaphore_mem>>
      %dma_start3A = arith.constant 0 : i32
      %dma_start3A_90 = tpu.memref_slice %arg12[%add3A_33, %dma_start3A] : memref<10240x128xf32, #tpu.memory_space<vmem_shared>> -> memref<128x128xf32, #tpu.memory_space<vmem_shared>>
      %dma_start3A_91 = arith.constant 0 : i32
      %dma_start3A_92 = tpu.memref_slice %arg12[%add3A_33, %dma_start3A_91] : memref<10240x128xf32, #tpu.memory_space<vmem_shared>> -> memref<128x128xf32, #tpu.memory_space<vmem_shared>>
      tpu.enqueue_dma source(%dma_start3A_92 : memref<128x128xf32, #tpu.memory_space<vmem_shared>>) target(%arg11 : memref<128x128xf32, #tpu.memory_space<vmem>>) target_semaphore(%run_scoped3A : memref<!tpu.dma_semaphore, #tpu.memory_space<semaphore_mem>>)
      %dma_wait3A = arith.constant 0 : i32
      %dma_wait3A_93 = tpu.memref_slice %arg12[%add3A_33, %dma_wait3A] : memref<10240x128xf32, #tpu.memory_space<vmem_shared>> -> memref<128x128xf32, #tpu.memory_space<vmem_shared>>
      %dma_wait3A_94 = arith.constant 0 : i32
      %dma_wait3A_95 = tpu.memref_slice %arg12[%add3A_33, %dma_wait3A_94] : memref<10240x128xf32, #tpu.memory_space<vmem_shared>> -> memref<128x128xf32, #tpu.memory_space<vmem_shared>>
      tpu.wait_dma2 semaphore(%run_scoped3A : memref<!tpu.dma_semaphore, #tpu.memory_space<semaphore_mem>>) src(%dma_wait3A_95 : memref<128x128xf32, #tpu.memory_space<vmem_shared>>) dst(%arg11 : memref<128x128xf32, #tpu.memory_space<vmem>>)
      tpu.yield
    }) : () -> ()
    %mul3A_34 = arith.constant 10240 : i32
    %mul3A_35 = arith.muli %arg0, %mul3A_34 : i32
    %mul3A_36 = arith.constant 640 : i32
    %mul3A_37 = arith.muli %arg1, %mul3A_36 : i32
    %add3A_38 = arith.addi %mul3A_35, %mul3A_37 : i32
    %add3A_39 = arith.constant 0 : i32
    %add3A_40 = arith.addi %add3A_38, %add3A_39 : i32
    "tpu.region"() ({
      %run_scoped3A = tpu.sem_alloc : memref<!tpu.dma_semaphore, #tpu.memory_space<semaphore_mem>>
      %dma_start3A = arith.constant 0 : i32
      %dma_start3A_90 = tpu.memref_slice %arg7[%add3A_40, %dma_start3A] : memref<20480x128xf32, #tpu.memory_space<hbm>> -> memref<128x128xf32, #tpu.memory_space<hbm>>
      %dma_start3A_91 = arith.constant 0 : i32
      %dma_start3A_92 = tpu.memref_slice %arg7[%add3A_40, %dma_start3A_91] : memref<20480x128xf32, #tpu.memory_space<hbm>> -> memref<128x128xf32, #tpu.memory_space<hbm>>
      tpu.enqueue_dma source(%arg11 : memref<128x128xf32, #tpu.memory_space<vmem>>) target(%dma_start3A_92 : memref<128x128xf32, #tpu.memory_space<hbm>>) target_semaphore(%run_scoped3A : memref<!tpu.dma_semaphore, #tpu.memory_space<semaphore_mem>>)
      %dma_wait3A = arith.constant 0 : i32
      %dma_wait3A_93 = tpu.memref_slice %arg7[%add3A_40, %dma_wait3A] : memref<20480x128xf32, #tpu.memory_space<hbm>> -> memref<128x128xf32, #tpu.memory_space<hbm>>
      %dma_wait3A_94 = arith.constant 0 : i32
      %dma_wait3A_95 = tpu.memref_slice %arg7[%add3A_40, %dma_wait3A_94] : memref<20480x128xf32, #tpu.memory_space<hbm>> -> memref<128x128xf32, #tpu.memory_space<hbm>>
      tpu.wait_dma2 semaphore(%run_scoped3A : memref<!tpu.dma_semaphore, #tpu.memory_space<semaphore_mem>>) src(%arg11 : memref<128x128xf32, #tpu.memory_space<vmem>>) dst(%dma_wait3A_95 : memref<128x128xf32, #tpu.memory_space<hbm>>)
      tpu.yield
    }) : () -> ()
    %mul3A_41 = arith.constant 640 : i32
    %mul3A_42 = arith.muli %arg1, %mul3A_41 : i32
    %add3A_43 = arith.constant 128 : i32
    %add3A_44 = arith.addi %mul3A_42, %add3A_43 : i32
    "tpu.region"() ({
      %run_scoped3A = tpu.sem_alloc : memref<!tpu.dma_semaphore, #tpu.memory_space<semaphore_mem>>
      %dma_start3A = arith.constant 0 : i32
      %dma_start3A_90 = tpu.memref_slice %arg12[%add3A_44, %dma_start3A] : memref<10240x128xf32, #tpu.memory_space<vmem_shared>> -> memref<128x128xf32, #tpu.memory_space<vmem_shared>>
      %dma_start3A_91 = arith.constant 0 : i32
      %dma_start3A_92 = tpu.memref_slice %arg12[%add3A_44, %dma_start3A_91] : memref<10240x128xf32, #tpu.memory_space<vmem_shared>> -> memref<128x128xf32, #tpu.memory_space<vmem_shared>>
      tpu.enqueue_dma source(%dma_start3A_92 : memref<128x128xf32, #tpu.memory_space<vmem_shared>>) target(%arg11 : memref<128x128xf32, #tpu.memory_space<vmem>>) target_semaphore(%run_scoped3A : memref<!tpu.dma_semaphore, #tpu.memory_space<semaphore_mem>>)
      %dma_wait3A = arith.constant 0 : i32
      %dma_wait3A_93 = tpu.memref_slice %arg12[%add3A_44, %dma_wait3A] : memref<10240x128xf32, #tpu.memory_space<vmem_shared>> -> memref<128x128xf32, #tpu.memory_space<vmem_shared>>
      %dma_wait3A_94 = arith.constant 0 : i32
      %dma_wait3A_95 = tpu.memref_slice %arg12[%add3A_44, %dma_wait3A_94] : memref<10240x128xf32, #tpu.memory_space<vmem_shared>> -> memref<128x128xf32, #tpu.memory_space<vmem_shared>>
      tpu.wait_dma2 semaphore(%run_scoped3A : memref<!tpu.dma_semaphore, #tpu.memory_space<semaphore_mem>>) src(%dma_wait3A_95 : memref<128x128xf32, #tpu.memory_space<vmem_shared>>) dst(%arg11 : memref<128x128xf32, #tpu.memory_space<vmem>>)
      tpu.yield
    }) : () -> ()
    %mul3A_45 = arith.constant 10240 : i32
    %mul3A_46 = arith.muli %arg0, %mul3A_45 : i32
    %mul3A_47 = arith.constant 640 : i32
    %mul3A_48 = arith.muli %arg1, %mul3A_47 : i32
    %add3A_49 = arith.addi %mul3A_46, %mul3A_48 : i32
    %add3A_50 = arith.constant 128 : i32
    %add3A_51 = arith.addi %add3A_49, %add3A_50 : i32
    "tpu.region"() ({
      %run_scoped3A = tpu.sem_alloc : memref<!tpu.dma_semaphore, #tpu.memory_space<semaphore_mem>>
      %dma_start3A = arith.constant 0 : i32
      %dma_start3A_90 = tpu.memref_slice %arg7[%add3A_51, %dma_start3A] : memref<20480x128xf32, #tpu.memory_space<hbm>> -> memref<128x128xf32, #tpu.memory_space<hbm>>
      %dma_start3A_91 = arith.constant 0 : i32
      %dma_start3A_92 = tpu.memref_slice %arg7[%add3A_51, %dma_start3A_91] : memref<20480x128xf32, #tpu.memory_space<hbm>> -> memref<128x128xf32, #tpu.memory_space<hbm>>
      tpu.enqueue_dma source(%arg11 : memref<128x128xf32, #tpu.memory_space<vmem>>) target(%dma_start3A_92 : memref<128x128xf32, #tpu.memory_space<hbm>>) target_semaphore(%run_scoped3A : memref<!tpu.dma_semaphore, #tpu.memory_space<semaphore_mem>>)
      %dma_wait3A = arith.constant 0 : i32
      %dma_wait3A_93 = tpu.memref_slice %arg7[%add3A_51, %dma_wait3A] : memref<20480x128xf32, #tpu.memory_space<hbm>> -> memref<128x128xf32, #tpu.memory_space<hbm>>
      %dma_wait3A_94 = arith.constant 0 : i32
      %dma_wait3A_95 = tpu.memref_slice %arg7[%add3A_51, %dma_wait3A_94] : memref<20480x128xf32, #tpu.memory_space<hbm>> -> memref<128x128xf32, #tpu.memory_space<hbm>>
      tpu.wait_dma2 semaphore(%run_scoped3A : memref<!tpu.dma_semaphore, #tpu.memory_space<semaphore_mem>>) src(%arg11 : memref<128x128xf32, #tpu.memory_space<vmem>>) dst(%dma_wait3A_95 : memref<128x128xf32, #tpu.memory_space<hbm>>)
      tpu.yield
    }) : () -> ()
    %mul3A_52 = arith.constant 640 : i32
    %mul3A_53 = arith.muli %arg1, %mul3A_52 : i32
    %add3A_54 = arith.constant 256 : i32
    %add3A_55 = arith.addi %mul3A_53, %add3A_54 : i32
    "tpu.region"() ({
      %run_scoped3A = tpu.sem_alloc : memref<!tpu.dma_semaphore, #tpu.memory_space<semaphore_mem>>
      %dma_start3A = arith.constant 0 : i32
      %dma_start3A_90 = tpu.memref_slice %arg12[%add3A_55, %dma_start3A] : memref<10240x128xf32, #tpu.memory_space<vmem_shared>> -> memref<128x128xf32, #tpu.memory_space<vmem_shared>>
      %dma_start3A_91 = arith.constant 0 : i32
      %dma_start3A_92 = tpu.memref_slice %arg12[%add3A_55, %dma_start3A_91] : memref<10240x128xf32, #tpu.memory_space<vmem_shared>> -> memref<128x128xf32, #tpu.memory_space<vmem_shared>>
      tpu.enqueue_dma source(%dma_start3A_92 : memref<128x128xf32, #tpu.memory_space<vmem_shared>>) target(%arg11 : memref<128x128xf32, #tpu.memory_space<vmem>>) target_semaphore(%run_scoped3A : memref<!tpu.dma_semaphore, #tpu.memory_space<semaphore_mem>>)
      %dma_wait3A = arith.constant 0 : i32
      %dma_wait3A_93 = tpu.memref_slice %arg12[%add3A_55, %dma_wait3A] : memref<10240x128xf32, #tpu.memory_space<vmem_shared>> -> memref<128x128xf32, #tpu.memory_space<vmem_shared>>
      %dma_wait3A_94 = arith.constant 0 : i32
      %dma_wait3A_95 = tpu.memref_slice %arg12[%add3A_55, %dma_wait3A_94] : memref<10240x128xf32, #tpu.memory_space<vmem_shared>> -> memref<128x128xf32, #tpu.memory_space<vmem_shared>>
      tpu.wait_dma2 semaphore(%run_scoped3A : memref<!tpu.dma_semaphore, #tpu.memory_space<semaphore_mem>>) src(%dma_wait3A_95 : memref<128x128xf32, #tpu.memory_space<vmem_shared>>) dst(%arg11 : memref<128x128xf32, #tpu.memory_space<vmem>>)
      tpu.yield
    }) : () -> ()
    %mul3A_56 = arith.constant 10240 : i32
    %mul3A_57 = arith.muli %arg0, %mul3A_56 : i32
    %mul3A_58 = arith.constant 640 : i32
    %mul3A_59 = arith.muli %arg1, %mul3A_58 : i32
    %add3A_60 = arith.addi %mul3A_57, %mul3A_59 : i32
    %add3A_61 = arith.constant 256 : i32
    %add3A_62 = arith.addi %add3A_60, %add3A_61 : i32
    "tpu.region"() ({
      %run_scoped3A = tpu.sem_alloc : memref<!tpu.dma_semaphore, #tpu.memory_space<semaphore_mem>>
      %dma_start3A = arith.constant 0 : i32
      %dma_start3A_90 = tpu.memref_slice %arg7[%add3A_62, %dma_start3A] : memref<20480x128xf32, #tpu.memory_space<hbm>> -> memref<128x128xf32, #tpu.memory_space<hbm>>
      %dma_start3A_91 = arith.constant 0 : i32
      %dma_start3A_92 = tpu.memref_slice %arg7[%add3A_62, %dma_start3A_91] : memref<20480x128xf32, #tpu.memory_space<hbm>> -> memref<128x128xf32, #tpu.memory_space<hbm>>
      tpu.enqueue_dma source(%arg11 : memref<128x128xf32, #tpu.memory_space<vmem>>) target(%dma_start3A_92 : memref<128x128xf32, #tpu.memory_space<hbm>>) target_semaphore(%run_scoped3A : memref<!tpu.dma_semaphore, #tpu.memory_space<semaphore_mem>>)
      %dma_wait3A = arith.constant 0 : i32
      %dma_wait3A_93 = tpu.memref_slice %arg7[%add3A_62, %dma_wait3A] : memref<20480x128xf32, #tpu.memory_space<hbm>> -> memref<128x128xf32, #tpu.memory_space<hbm>>
      %dma_wait3A_94 = arith.constant 0 : i32
      %dma_wait3A_95 = tpu.memref_slice %arg7[%add3A_62, %dma_wait3A_94] : memref<20480x128xf32, #tpu.memory_space<hbm>> -> memref<128x128xf32, #tpu.memory_space<hbm>>
      tpu.wait_dma2 semaphore(%run_scoped3A : memref<!tpu.dma_semaphore, #tpu.memory_space<semaphore_mem>>) src(%arg11 : memref<128x128xf32, #tpu.memory_space<vmem>>) dst(%dma_wait3A_95 : memref<128x128xf32, #tpu.memory_space<hbm>>)
      tpu.yield
    }) : () -> ()
    %mul3A_63 = arith.constant 640 : i32
    %mul3A_64 = arith.muli %arg1, %mul3A_63 : i32
    %add3A_65 = arith.constant 384 : i32
    %add3A_66 = arith.addi %mul3A_64, %add3A_65 : i32
    "tpu.region"() ({
      %run_scoped3A = tpu.sem_alloc : memref<!tpu.dma_semaphore, #tpu.memory_space<semaphore_mem>>
      %dma_start3A = arith.constant 0 : i32
      %dma_start3A_90 = tpu.memref_slice %arg12[%add3A_66, %dma_start3A] : memref<10240x128xf32, #tpu.memory_space<vmem_shared>> -> memref<128x128xf32, #tpu.memory_space<vmem_shared>>
      %dma_start3A_91 = arith.constant 0 : i32
      %dma_start3A_92 = tpu.memref_slice %arg12[%add3A_66, %dma_start3A_91] : memref<10240x128xf32, #tpu.memory_space<vmem_shared>> -> memref<128x128xf32, #tpu.memory_space<vmem_shared>>
      tpu.enqueue_dma source(%dma_start3A_92 : memref<128x128xf32, #tpu.memory_space<vmem_shared>>) target(%arg11 : memref<128x128xf32, #tpu.memory_space<vmem>>) target_semaphore(%run_scoped3A : memref<!tpu.dma_semaphore, #tpu.memory_space<semaphore_mem>>)
      %dma_wait3A = arith.constant 0 : i32
      %dma_wait3A_93 = tpu.memref_slice %arg12[%add3A_66, %dma_wait3A] : memref<10240x128xf32, #tpu.memory_space<vmem_shared>> -> memref<128x128xf32, #tpu.memory_space<vmem_shared>>
      %dma_wait3A_94 = arith.constant 0 : i32
      %dma_wait3A_95 = tpu.memref_slice %arg12[%add3A_66, %dma_wait3A_94] : memref<10240x128xf32, #tpu.memory_space<vmem_shared>> -> memref<128x128xf32, #tpu.memory_space<vmem_shared>>
      tpu.wait_dma2 semaphore(%run_scoped3A : memref<!tpu.dma_semaphore, #tpu.memory_space<semaphore_mem>>) src(%dma_wait3A_95 : memref<128x128xf32, #tpu.memory_space<vmem_shared>>) dst(%arg11 : memref<128x128xf32, #tpu.memory_space<vmem>>)
      tpu.yield
    }) : () -> ()
    %mul3A_67 = arith.constant 10240 : i32
    %mul3A_68 = arith.muli %arg0, %mul3A_67 : i32
    %mul3A_69 = arith.constant 640 : i32
    %mul3A_70 = arith.muli %arg1, %mul3A_69 : i32
    %add3A_71 = arith.addi %mul3A_68, %mul3A_70 : i32
    %add3A_72 = arith.constant 384 : i32
    %add3A_73 = arith.addi %add3A_71, %add3A_72 : i32
    "tpu.region"() ({
      %run_scoped3A = tpu.sem_alloc : memref<!tpu.dma_semaphore, #tpu.memory_space<semaphore_mem>>
      %dma_start3A = arith.constant 0 : i32
      %dma_start3A_90 = tpu.memref_slice %arg7[%add3A_73, %dma_start3A] : memref<20480x128xf32, #tpu.memory_space<hbm>> -> memref<128x128xf32, #tpu.memory_space<hbm>>
      %dma_start3A_91 = arith.constant 0 : i32
      %dma_start3A_92 = tpu.memref_slice %arg7[%add3A_73, %dma_start3A_91] : memref<20480x128xf32, #tpu.memory_space<hbm>> -> memref<128x128xf32, #tpu.memory_space<hbm>>
      tpu.enqueue_dma source(%arg11 : memref<128x128xf32, #tpu.memory_space<vmem>>) target(%dma_start3A_92 : memref<128x128xf32, #tpu.memory_space<hbm>>) target_semaphore(%run_scoped3A : memref<!tpu.dma_semaphore, #tpu.memory_space<semaphore_mem>>)
      %dma_wait3A = arith.constant 0 : i32
      %dma_wait3A_93 = tpu.memref_slice %arg7[%add3A_73, %dma_wait3A] : memref<20480x128xf32, #tpu.memory_space<hbm>> -> memref<128x128xf32, #tpu.memory_space<hbm>>
      %dma_wait3A_94 = arith.constant 0 : i32
      %dma_wait3A_95 = tpu.memref_slice %arg7[%add3A_73, %dma_wait3A_94] : memref<20480x128xf32, #tpu.memory_space<hbm>> -> memref<128x128xf32, #tpu.memory_space<hbm>>
      tpu.wait_dma2 semaphore(%run_scoped3A : memref<!tpu.dma_semaphore, #tpu.memory_space<semaphore_mem>>) src(%arg11 : memref<128x128xf32, #tpu.memory_space<vmem>>) dst(%dma_wait3A_95 : memref<128x128xf32, #tpu.memory_space<hbm>>)
      tpu.yield
    }) : () -> ()
    %mul3A_74 = arith.constant 640 : i32
    %mul3A_75 = arith.muli %arg1, %mul3A_74 : i32
    %add3A_76 = arith.constant 512 : i32
    %add3A_77 = arith.addi %mul3A_75, %add3A_76 : i32
    "tpu.region"() ({
      %run_scoped3A = tpu.sem_alloc : memref<!tpu.dma_semaphore, #tpu.memory_space<semaphore_mem>>
      %dma_start3A = arith.constant 0 : i32
      %dma_start3A_90 = tpu.memref_slice %arg12[%add3A_77, %dma_start3A] : memref<10240x128xf32, #tpu.memory_space<vmem_shared>> -> memref<128x128xf32, #tpu.memory_space<vmem_shared>>
      %dma_start3A_91 = arith.constant 0 : i32
      %dma_start3A_92 = tpu.memref_slice %arg12[%add3A_77, %dma_start3A_91] : memref<10240x128xf32, #tpu.memory_space<vmem_shared>> -> memref<128x128xf32, #tpu.memory_space<vmem_shared>>
      tpu.enqueue_dma source(%dma_start3A_92 : memref<128x128xf32, #tpu.memory_space<vmem_shared>>) target(%arg11 : memref<128x128xf32, #tpu.memory_space<vmem>>) target_semaphore(%run_scoped3A : memref<!tpu.dma_semaphore, #tpu.memory_space<semaphore_mem>>)
      %dma_wait3A = arith.constant 0 : i32
      %dma_wait3A_93 = tpu.memref_slice %arg12[%add3A_77, %dma_wait3A] : memref<10240x128xf32, #tpu.memory_space<vmem_shared>> -> memref<128x128xf32, #tpu.memory_space<vmem_shared>>
      %dma_wait3A_94 = arith.constant 0 : i32
      %dma_wait3A_95 = tpu.memref_slice %arg12[%add3A_77, %dma_wait3A_94] : memref<10240x128xf32, #tpu.memory_space<vmem_shared>> -> memref<128x128xf32, #tpu.memory_space<vmem_shared>>
      tpu.wait_dma2 semaphore(%run_scoped3A : memref<!tpu.dma_semaphore, #tpu.memory_space<semaphore_mem>>) src(%dma_wait3A_95 : memref<128x128xf32, #tpu.memory_space<vmem_shared>>) dst(%arg11 : memref<128x128xf32, #tpu.memory_space<vmem>>)
      tpu.yield
    }) : () -> ()
    %mul3A_78 = arith.constant 10240 : i32
    %mul3A_79 = arith.muli %arg0, %mul3A_78 : i32
    %mul3A_80 = arith.constant 640 : i32
    %mul3A_81 = arith.muli %arg1, %mul3A_80 : i32
    %add3A_82 = arith.addi %mul3A_79, %mul3A_81 : i32
    %add3A_83 = arith.constant 512 : i32
    %add3A_84 = arith.addi %add3A_82, %add3A_83 : i32
    "tpu.region"() ({
      %run_scoped3A = tpu.sem_alloc : memref<!tpu.dma_semaphore, #tpu.memory_space<semaphore_mem>>
      %dma_start3A = arith.constant 0 : i32
      %dma_start3A_90 = tpu.memref_slice %arg7[%add3A_84, %dma_start3A] : memref<20480x128xf32, #tpu.memory_space<hbm>> -> memref<128x128xf32, #tpu.memory_space<hbm>>
      %dma_start3A_91 = arith.constant 0 : i32
      %dma_start3A_92 = tpu.memref_slice %arg7[%add3A_84, %dma_start3A_91] : memref<20480x128xf32, #tpu.memory_space<hbm>> -> memref<128x128xf32, #tpu.memory_space<hbm>>
      tpu.enqueue_dma source(%arg11 : memref<128x128xf32, #tpu.memory_space<vmem>>) target(%dma_start3A_92 : memref<128x128xf32, #tpu.memory_space<hbm>>) target_semaphore(%run_scoped3A : memref<!tpu.dma_semaphore, #tpu.memory_space<semaphore_mem>>)
      %dma_wait3A = arith.constant 0 : i32
      %dma_wait3A_93 = tpu.memref_slice %arg7[%add3A_84, %dma_wait3A] : memref<20480x128xf32, #tpu.memory_space<hbm>> -> memref<128x128xf32, #tpu.memory_space<hbm>>
      %dma_wait3A_94 = arith.constant 0 : i32
      %dma_wait3A_95 = tpu.memref_slice %arg7[%add3A_84, %dma_wait3A_94] : memref<20480x128xf32, #tpu.memory_space<hbm>> -> memref<128x128xf32, #tpu.memory_space<hbm>>
      tpu.wait_dma2 semaphore(%run_scoped3A : memref<!tpu.dma_semaphore, #tpu.memory_space<semaphore_mem>>) src(%arg11 : memref<128x128xf32, #tpu.memory_space<vmem>>) dst(%dma_wait3A_95 : memref<128x128xf32, #tpu.memory_space<hbm>>)
      tpu.yield
    }) : () -> ()
    %lt3A_85 = arith.constant 10 : i32
    %lt3A_86 = arith.cmpi slt, %arg1, %lt3A_85 : i32
    %convert_element_type3A_87 = arith.extui %lt3A_86 : i1 to i32
    %cond3A_88 = arith.constant 0 : i32
    %cond3A_89 = arith.cmpi ne, %convert_element_type3A_87, %cond3A_88 : i32
    scf.if %cond3A_89 {
      %mul3A_90 = arith.constant 8 : i32
      %mul3A_91 = arith.muli %arg1, %mul3A_90 : i32
      "tpu.region"() ({
        %run_scoped3A = tpu.sem_alloc : memref<!tpu.dma_semaphore, #tpu.memory_space<semaphore_mem>>
        %dma_start3A = arith.constant 0 : i32
        %dma_start3A_97 = arith.constant 0 : i32
        %dma_start3A_98 = tpu.memref_slice %arg14[%dma_start3A, %dma_start3A_97] : memref<80x128xf32, #tpu.memory_space<vmem>> -> memref<8x128xf32, #tpu.memory_space<vmem>>
        %dma_start3A_99 = arith.constant 0 : i32
        %dma_start3A_100 = tpu.memref_slice %arg16[%mul3A_91, %dma_start3A_99] : memref<80x128xf32, #tpu.memory_space<vmem_shared>> -> memref<8x128xf32, #tpu.memory_space<vmem_shared>>
        %dma_start3A_101 = arith.constant 0 : i32
        %dma_start3A_102 = arith.constant 0 : i32
        %dma_start3A_103 = tpu.memref_slice %arg14[%dma_start3A_101, %dma_start3A_102] : memref<80x128xf32, #tpu.memory_space<vmem>> -> memref<8x128xf32, #tpu.memory_space<vmem>>
        %dma_start3A_104 = arith.constant 0 : i32
        %dma_start3A_105 = tpu.memref_slice %arg16[%mul3A_91, %dma_start3A_104] : memref<80x128xf32, #tpu.memory_space<vmem_shared>> -> memref<8x128xf32, #tpu.memory_space<vmem_shared>>
        tpu.enqueue_dma source(%dma_start3A_105 : memref<8x128xf32, #tpu.memory_space<vmem_shared>>) target(%dma_start3A_103 : memref<8x128xf32, #tpu.memory_space<vmem>>) target_semaphore(%run_scoped3A : memref<!tpu.dma_semaphore, #tpu.memory_space<semaphore_mem>>)
        %dma_wait3A = arith.constant 0 : i32
        %dma_wait3A_106 = arith.constant 0 : i32
        %dma_wait3A_107 = tpu.memref_slice %arg14[%dma_wait3A, %dma_wait3A_106] : memref<80x128xf32, #tpu.memory_space<vmem>> -> memref<8x128xf32, #tpu.memory_space<vmem>>
        %dma_wait3A_108 = arith.constant 0 : i32
        %dma_wait3A_109 = tpu.memref_slice %arg16[%mul3A_91, %dma_wait3A_108] : memref<80x128xf32, #tpu.memory_space<vmem_shared>> -> memref<8x128xf32, #tpu.memory_space<vmem_shared>>
        %dma_wait3A_110 = arith.constant 0 : i32
        %dma_wait3A_111 = arith.constant 0 : i32
        %dma_wait3A_112 = tpu.memref_slice %arg14[%dma_wait3A_110, %dma_wait3A_111] : memref<80x128xf32, #tpu.memory_space<vmem>> -> memref<8x128xf32, #tpu.memory_space<vmem>>
        %dma_wait3A_113 = arith.constant 0 : i32
        %dma_wait3A_114 = tpu.memref_slice %arg16[%mul3A_91, %dma_wait3A_113] : memref<80x128xf32, #tpu.memory_space<vmem_shared>> -> memref<8x128xf32, #tpu.memory_space<vmem_shared>>
        tpu.wait_dma2 semaphore(%run_scoped3A : memref<!tpu.dma_semaphore, #tpu.memory_space<semaphore_mem>>) src(%dma_wait3A_114 : memref<8x128xf32, #tpu.memory_space<vmem_shared>>) dst(%dma_wait3A_112 : memref<8x128xf32, #tpu.memory_space<vmem>>)
        tpu.yield
      }) : () -> ()
      %mul3A_92 = arith.constant 80 : i32
      %mul3A_93 = arith.muli %arg0, %mul3A_92 : i32
      %mul3A_94 = arith.constant 8 : i32
      %mul3A_95 = arith.muli %arg1, %mul3A_94 : i32
      %add3A_96 = arith.addi %mul3A_93, %mul3A_95 : i32
      "tpu.region"() ({
        %run_scoped3A = tpu.sem_alloc : memref<!tpu.dma_semaphore, #tpu.memory_space<semaphore_mem>>
        %dma_start3A = arith.constant 0 : i32
        %dma_start3A_97 = arith.constant 0 : i32
        %dma_start3A_98 = tpu.memref_slice %arg14[%dma_start3A, %dma_start3A_97] : memref<80x128xf32, #tpu.memory_space<vmem>> -> memref<8x128xf32, #tpu.memory_space<vmem>>
        %dma_start3A_99 = arith.constant 0 : i32
        %dma_start3A_100 = tpu.memref_slice %arg8[%add3A_96, %dma_start3A_99] : memref<160x128xf32, #tpu.memory_space<hbm>> -> memref<8x128xf32, #tpu.memory_space<hbm>>
        %dma_start3A_101 = arith.constant 0 : i32
        %dma_start3A_102 = tpu.memref_slice %arg8[%add3A_96, %dma_start3A_101] : memref<160x128xf32, #tpu.memory_space<hbm>> -> memref<8x128xf32, #tpu.memory_space<hbm>>
        %dma_start3A_103 = arith.constant 0 : i32
        %dma_start3A_104 = arith.constant 0 : i32
        %dma_start3A_105 = tpu.memref_slice %arg14[%dma_start3A_103, %dma_start3A_104] : memref<80x128xf32, #tpu.memory_space<vmem>> -> memref<8x128xf32, #tpu.memory_space<vmem>>
        tpu.enqueue_dma source(%dma_start3A_105 : memref<8x128xf32, #tpu.memory_space<vmem>>) target(%dma_start3A_102 : memref<8x128xf32, #tpu.memory_space<hbm>>) target_semaphore(%run_scoped3A : memref<!tpu.dma_semaphore, #tpu.memory_space<semaphore_mem>>)
        %dma_wait3A = arith.constant 0 : i32
        %dma_wait3A_106 = arith.constant 0 : i32
        %dma_wait3A_107 = tpu.memref_slice %arg14[%dma_wait3A, %dma_wait3A_106] : memref<80x128xf32, #tpu.memory_space<vmem>> -> memref<8x128xf32, #tpu.memory_space<vmem>>
        %dma_wait3A_108 = arith.constant 0 : i32
        %dma_wait3A_109 = tpu.memref_slice %arg8[%add3A_96, %dma_wait3A_108] : memref<160x128xf32, #tpu.memory_space<hbm>> -> memref<8x128xf32, #tpu.memory_space<hbm>>
        %dma_wait3A_110 = arith.constant 0 : i32
        %dma_wait3A_111 = tpu.memref_slice %arg8[%add3A_96, %dma_wait3A_110] : memref<160x128xf32, #tpu.memory_space<hbm>> -> memref<8x128xf32, #tpu.memory_space<hbm>>
        %dma_wait3A_112 = arith.constant 0 : i32
        %dma_wait3A_113 = arith.constant 0 : i32
        %dma_wait3A_114 = tpu.memref_slice %arg14[%dma_wait3A_112, %dma_wait3A_113] : memref<80x128xf32, #tpu.memory_space<vmem>> -> memref<8x128xf32, #tpu.memory_space<vmem>>
        tpu.wait_dma2 semaphore(%run_scoped3A : memref<!tpu.dma_semaphore, #tpu.memory_space<semaphore_mem>>) src(%dma_wait3A_114 : memref<8x128xf32, #tpu.memory_space<vmem>>) dst(%dma_wait3A_111 : memref<8x128xf32, #tpu.memory_space<hbm>>)
        tpu.yield
      }) : () -> ()
    } else {
    }
    return
  }
}

#map = affine_map<(d0, d1) -> (0, 0)>
#map1 = affine_map<(d0, d1) -> (0)>
module attributes {stable_mosaic.version = 14 : i64} {
  func.func @body(%arg0: i32, %arg1: i32, %arg2: memref<10000x128xf32, #tpu.memory_space<hbm>>, %arg3: memref<323584xi32, #tpu.memory_space<hbm>>, %arg4: memref<323584xi32, #tpu.memory_space<hbm>>, %arg5: memref<128x128xf32, #tpu.memory_space<hbm>>, %arg6: memref<20480x128xf32, #tpu.memory_space<hbm>>, %arg7: memref<128xi32, #tpu.memory_space<vmem>>, %arg8: memref<128xi32, #tpu.memory_space<vmem>>, %arg9: memref<128x128xf32, #tpu.memory_space<vmem>>, %arg10: memref<10240x128xf32, #tpu.memory_space<vmem_shared>>, %arg11: memref<!tpu.dma_semaphore, #tpu.memory_space<semaphore_mem>>) attributes {dimension_semantics = [#tpu.dimension_semantics<core_parallel>, #tpu.dimension_semantics<subcore_parallel>], iteration_bounds = array<i64: 2, 16>, scalar_prefetch = 0 : i64, scratch_operands = 5 : i64, tpu.core_type = #tpu.core_type<sc_vector_subcore>, window_params = [{transform_indices = #map}, {transform_indices = #map1}, {transform_indices = #map1}, {transform_indices = #map}, {transform_indices = #map}]} {
    %mul3A = arith.constant 16 : i32
    %mul3A_0 = arith.muli %arg0, %mul3A : i32
    %add3A = arith.addi %mul3A_0, %arg1 : i32
    "tpu.region"() ({
      %run_scoped3A = tpu.sem_alloc : memref<!tpu.dma_semaphore, #tpu.memory_space<semaphore_mem>>
      tpu.enqueue_dma source(%arg5 : memref<128x128xf32, #tpu.memory_space<hbm>>) target(%arg9 : memref<128x128xf32, #tpu.memory_space<vmem>>) target_semaphore(%run_scoped3A : memref<!tpu.dma_semaphore, #tpu.memory_space<semaphore_mem>>)
      tpu.wait_dma2 semaphore(%run_scoped3A : memref<!tpu.dma_semaphore, #tpu.memory_space<semaphore_mem>>) src(%arg5 : memref<128x128xf32, #tpu.memory_space<hbm>>) dst(%arg9 : memref<128x128xf32, #tpu.memory_space<vmem>>)
      tpu.yield
    }) : () -> ()
    %mul3A_1 = arith.constant 640 : i32
    %mul3A_2 = arith.muli %arg1, %mul3A_1 : i32
    %add3A_3 = arith.constant 0 : i32
    %add3A_4 = arith.addi %mul3A_2, %add3A_3 : i32
    "tpu.region"() ({
      %run_scoped3A = tpu.sem_alloc : memref<!tpu.dma_semaphore, #tpu.memory_space<semaphore_mem>>
      %dma_start3A = arith.constant 0 : i32
      %dma_start3A_83 = tpu.memref_slice %arg10[%add3A_4, %dma_start3A] : memref<10240x128xf32, #tpu.memory_space<vmem_shared>> -> memref<128x128xf32, #tpu.memory_space<vmem_shared>>
      %dma_start3A_84 = arith.constant 0 : i32
      %dma_start3A_85 = tpu.memref_slice %arg10[%add3A_4, %dma_start3A_84] : memref<10240x128xf32, #tpu.memory_space<vmem_shared>> -> memref<128x128xf32, #tpu.memory_space<vmem_shared>>
      tpu.enqueue_dma source(%arg9 : memref<128x128xf32, #tpu.memory_space<vmem>>) target(%dma_start3A_85 : memref<128x128xf32, #tpu.memory_space<vmem_shared>>) target_semaphore(%run_scoped3A : memref<!tpu.dma_semaphore, #tpu.memory_space<semaphore_mem>>)
      %dma_wait3A = arith.constant 0 : i32
      %dma_wait3A_86 = tpu.memref_slice %arg10[%add3A_4, %dma_wait3A] : memref<10240x128xf32, #tpu.memory_space<vmem_shared>> -> memref<128x128xf32, #tpu.memory_space<vmem_shared>>
      %dma_wait3A_87 = arith.constant 0 : i32
      %dma_wait3A_88 = tpu.memref_slice %arg10[%add3A_4, %dma_wait3A_87] : memref<10240x128xf32, #tpu.memory_space<vmem_shared>> -> memref<128x128xf32, #tpu.memory_space<vmem_shared>>
      tpu.wait_dma2 semaphore(%run_scoped3A : memref<!tpu.dma_semaphore, #tpu.memory_space<semaphore_mem>>) src(%arg9 : memref<128x128xf32, #tpu.memory_space<vmem>>) dst(%dma_wait3A_88 : memref<128x128xf32, #tpu.memory_space<vmem_shared>>)
      tpu.yield
    }) : () -> ()
    %mul3A_5 = arith.constant 640 : i32
    %mul3A_6 = arith.muli %arg1, %mul3A_5 : i32
    %add3A_7 = arith.constant 128 : i32
    %add3A_8 = arith.addi %mul3A_6, %add3A_7 : i32
    "tpu.region"() ({
      %run_scoped3A = tpu.sem_alloc : memref<!tpu.dma_semaphore, #tpu.memory_space<semaphore_mem>>
      %dma_start3A = arith.constant 0 : i32
      %dma_start3A_83 = tpu.memref_slice %arg10[%add3A_8, %dma_start3A] : memref<10240x128xf32, #tpu.memory_space<vmem_shared>> -> memref<128x128xf32, #tpu.memory_space<vmem_shared>>
      %dma_start3A_84 = arith.constant 0 : i32
      %dma_start3A_85 = tpu.memref_slice %arg10[%add3A_8, %dma_start3A_84] : memref<10240x128xf32, #tpu.memory_space<vmem_shared>> -> memref<128x128xf32, #tpu.memory_space<vmem_shared>>
      tpu.enqueue_dma source(%arg9 : memref<128x128xf32, #tpu.memory_space<vmem>>) target(%dma_start3A_85 : memref<128x128xf32, #tpu.memory_space<vmem_shared>>) target_semaphore(%run_scoped3A : memref<!tpu.dma_semaphore, #tpu.memory_space<semaphore_mem>>)
      %dma_wait3A = arith.constant 0 : i32
      %dma_wait3A_86 = tpu.memref_slice %arg10[%add3A_8, %dma_wait3A] : memref<10240x128xf32, #tpu.memory_space<vmem_shared>> -> memref<128x128xf32, #tpu.memory_space<vmem_shared>>
      %dma_wait3A_87 = arith.constant 0 : i32
      %dma_wait3A_88 = tpu.memref_slice %arg10[%add3A_8, %dma_wait3A_87] : memref<10240x128xf32, #tpu.memory_space<vmem_shared>> -> memref<128x128xf32, #tpu.memory_space<vmem_shared>>
      tpu.wait_dma2 semaphore(%run_scoped3A : memref<!tpu.dma_semaphore, #tpu.memory_space<semaphore_mem>>) src(%arg9 : memref<128x128xf32, #tpu.memory_space<vmem>>) dst(%dma_wait3A_88 : memref<128x128xf32, #tpu.memory_space<vmem_shared>>)
      tpu.yield
    }) : () -> ()
    %mul3A_9 = arith.constant 640 : i32
    %mul3A_10 = arith.muli %arg1, %mul3A_9 : i32
    %add3A_11 = arith.constant 256 : i32
    %add3A_12 = arith.addi %mul3A_10, %add3A_11 : i32
    "tpu.region"() ({
      %run_scoped3A = tpu.sem_alloc : memref<!tpu.dma_semaphore, #tpu.memory_space<semaphore_mem>>
      %dma_start3A = arith.constant 0 : i32
      %dma_start3A_83 = tpu.memref_slice %arg10[%add3A_12, %dma_start3A] : memref<10240x128xf32, #tpu.memory_space<vmem_shared>> -> memref<128x128xf32, #tpu.memory_space<vmem_shared>>
      %dma_start3A_84 = arith.constant 0 : i32
      %dma_start3A_85 = tpu.memref_slice %arg10[%add3A_12, %dma_start3A_84] : memref<10240x128xf32, #tpu.memory_space<vmem_shared>> -> memref<128x128xf32, #tpu.memory_space<vmem_shared>>
      tpu.enqueue_dma source(%arg9 : memref<128x128xf32, #tpu.memory_space<vmem>>) target(%dma_start3A_85 : memref<128x128xf32, #tpu.memory_space<vmem_shared>>) target_semaphore(%run_scoped3A : memref<!tpu.dma_semaphore, #tpu.memory_space<semaphore_mem>>)
      %dma_wait3A = arith.constant 0 : i32
      %dma_wait3A_86 = tpu.memref_slice %arg10[%add3A_12, %dma_wait3A] : memref<10240x128xf32, #tpu.memory_space<vmem_shared>> -> memref<128x128xf32, #tpu.memory_space<vmem_shared>>
      %dma_wait3A_87 = arith.constant 0 : i32
      %dma_wait3A_88 = tpu.memref_slice %arg10[%add3A_12, %dma_wait3A_87] : memref<10240x128xf32, #tpu.memory_space<vmem_shared>> -> memref<128x128xf32, #tpu.memory_space<vmem_shared>>
      tpu.wait_dma2 semaphore(%run_scoped3A : memref<!tpu.dma_semaphore, #tpu.memory_space<semaphore_mem>>) src(%arg9 : memref<128x128xf32, #tpu.memory_space<vmem>>) dst(%dma_wait3A_88 : memref<128x128xf32, #tpu.memory_space<vmem_shared>>)
      tpu.yield
    }) : () -> ()
    %mul3A_13 = arith.constant 640 : i32
    %mul3A_14 = arith.muli %arg1, %mul3A_13 : i32
    %add3A_15 = arith.constant 384 : i32
    %add3A_16 = arith.addi %mul3A_14, %add3A_15 : i32
    "tpu.region"() ({
      %run_scoped3A = tpu.sem_alloc : memref<!tpu.dma_semaphore, #tpu.memory_space<semaphore_mem>>
      %dma_start3A = arith.constant 0 : i32
      %dma_start3A_83 = tpu.memref_slice %arg10[%add3A_16, %dma_start3A] : memref<10240x128xf32, #tpu.memory_space<vmem_shared>> -> memref<128x128xf32, #tpu.memory_space<vmem_shared>>
      %dma_start3A_84 = arith.constant 0 : i32
      %dma_start3A_85 = tpu.memref_slice %arg10[%add3A_16, %dma_start3A_84] : memref<10240x128xf32, #tpu.memory_space<vmem_shared>> -> memref<128x128xf32, #tpu.memory_space<vmem_shared>>
      tpu.enqueue_dma source(%arg9 : memref<128x128xf32, #tpu.memory_space<vmem>>) target(%dma_start3A_85 : memref<128x128xf32, #tpu.memory_space<vmem_shared>>) target_semaphore(%run_scoped3A : memref<!tpu.dma_semaphore, #tpu.memory_space<semaphore_mem>>)
      %dma_wait3A = arith.constant 0 : i32
      %dma_wait3A_86 = tpu.memref_slice %arg10[%add3A_16, %dma_wait3A] : memref<10240x128xf32, #tpu.memory_space<vmem_shared>> -> memref<128x128xf32, #tpu.memory_space<vmem_shared>>
      %dma_wait3A_87 = arith.constant 0 : i32
      %dma_wait3A_88 = tpu.memref_slice %arg10[%add3A_16, %dma_wait3A_87] : memref<10240x128xf32, #tpu.memory_space<vmem_shared>> -> memref<128x128xf32, #tpu.memory_space<vmem_shared>>
      tpu.wait_dma2 semaphore(%run_scoped3A : memref<!tpu.dma_semaphore, #tpu.memory_space<semaphore_mem>>) src(%arg9 : memref<128x128xf32, #tpu.memory_space<vmem>>) dst(%dma_wait3A_88 : memref<128x128xf32, #tpu.memory_space<vmem_shared>>)
      tpu.yield
    }) : () -> ()
    %mul3A_17 = arith.constant 640 : i32
    %mul3A_18 = arith.muli %arg1, %mul3A_17 : i32
    %add3A_19 = arith.constant 512 : i32
    %add3A_20 = arith.addi %mul3A_18, %add3A_19 : i32
    "tpu.region"() ({
      %run_scoped3A = tpu.sem_alloc : memref<!tpu.dma_semaphore, #tpu.memory_space<semaphore_mem>>
      %dma_start3A = arith.constant 0 : i32
      %dma_start3A_83 = tpu.memref_slice %arg10[%add3A_20, %dma_start3A] : memref<10240x128xf32, #tpu.memory_space<vmem_shared>> -> memref<128x128xf32, #tpu.memory_space<vmem_shared>>
      %dma_start3A_84 = arith.constant 0 : i32
      %dma_start3A_85 = tpu.memref_slice %arg10[%add3A_20, %dma_start3A_84] : memref<10240x128xf32, #tpu.memory_space<vmem_shared>> -> memref<128x128xf32, #tpu.memory_space<vmem_shared>>
      tpu.enqueue_dma source(%arg9 : memref<128x128xf32, #tpu.memory_space<vmem>>) target(%dma_start3A_85 : memref<128x128xf32, #tpu.memory_space<vmem_shared>>) target_semaphore(%run_scoped3A : memref<!tpu.dma_semaphore, #tpu.memory_space<semaphore_mem>>)
      %dma_wait3A = arith.constant 0 : i32
      %dma_wait3A_86 = tpu.memref_slice %arg10[%add3A_20, %dma_wait3A] : memref<10240x128xf32, #tpu.memory_space<vmem_shared>> -> memref<128x128xf32, #tpu.memory_space<vmem_shared>>
      %dma_wait3A_87 = arith.constant 0 : i32
      %dma_wait3A_88 = tpu.memref_slice %arg10[%add3A_20, %dma_wait3A_87] : memref<10240x128xf32, #tpu.memory_space<vmem_shared>> -> memref<128x128xf32, #tpu.memory_space<vmem_shared>>
      tpu.wait_dma2 semaphore(%run_scoped3A : memref<!tpu.dma_semaphore, #tpu.memory_space<semaphore_mem>>) src(%arg9 : memref<128x128xf32, #tpu.memory_space<vmem>>) dst(%dma_wait3A_88 : memref<128x128xf32, #tpu.memory_space<vmem_shared>>)
      tpu.yield
    }) : () -> ()
    %barrier3A = arith.constant 0 : index
    tpu.barrier barrier_id(%barrier3A)
    %broadcast_in_dim3A = arith.constant 1.000000e+00 : f32
    %broadcast_in_dim3A_21 = vector.broadcast %broadcast_in_dim3A : f32 to vector<16xf32>
    %scan3A = arith.constant 0 : i32
    %scan3A_22 = arith.constant 0 : i32
    %scan3A_23 = arith.constant 79 : i32
    %scan3A_24 = arith.addi %scan3A_22, %scan3A_23 : i32
    %scan3A_25 = arith.constant 1 : i32
    scf.for %scan3A_83 = %scan3A_22 to %scan3A_24 step %scan3A_25  : i32 {
      %mul3A_84 = arith.constant 79 : i32
      %mul3A_85 = arith.muli %add3A, %mul3A_84 : i32
      %add3A_86 = arith.addi %mul3A_85, %scan3A_83 : i32
      %mul3A_87 = arith.constant 128 : i32
      %mul3A_88 = arith.muli %add3A_86, %mul3A_87 : i32
      "tpu.region"() ({
        %run_scoped3A = tpu.sem_alloc : memref<!tpu.dma_semaphore, #tpu.memory_space<semaphore_mem>>
        %dma_start3A_98 = tpu.memref_slice %arg3[%mul3A_88] : memref<323584xi32, #tpu.memory_space<hbm>> -> memref<128xi32, #tpu.memory_space<hbm>>
        %dma_start3A_99 = tpu.memref_slice %arg3[%mul3A_88] : memref<323584xi32, #tpu.memory_space<hbm>> -> memref<128xi32, #tpu.memory_space<hbm>>
        tpu.enqueue_dma source(%dma_start3A_99 : memref<128xi32, #tpu.memory_space<hbm>>) target(%arg7 : memref<128xi32, #tpu.memory_space<vmem>>) target_semaphore(%run_scoped3A : memref<!tpu.dma_semaphore, #tpu.memory_space<semaphore_mem>>)
        %dma_wait3A_100 = tpu.memref_slice %arg3[%mul3A_88] : memref<323584xi32, #tpu.memory_space<hbm>> -> memref<128xi32, #tpu.memory_space<hbm>>
        %dma_wait3A_101 = tpu.memref_slice %arg3[%mul3A_88] : memref<323584xi32, #tpu.memory_space<hbm>> -> memref<128xi32, #tpu.memory_space<hbm>>
        tpu.wait_dma2 semaphore(%run_scoped3A : memref<!tpu.dma_semaphore, #tpu.memory_space<semaphore_mem>>) src(%dma_wait3A_101 : memref<128xi32, #tpu.memory_space<hbm>>) dst(%arg7 : memref<128xi32, #tpu.memory_space<vmem>>)
        tpu.yield
      }) : () -> ()
      %mul3A_89 = arith.constant 79 : i32
      %mul3A_90 = arith.muli %add3A, %mul3A_89 : i32
      %add3A_91 = arith.addi %mul3A_90, %scan3A_83 : i32
      %mul3A_92 = arith.constant 128 : i32
      %mul3A_93 = arith.muli %add3A_91, %mul3A_92 : i32
      "tpu.region"() ({
        %run_scoped3A = tpu.sem_alloc : memref<!tpu.dma_semaphore, #tpu.memory_space<semaphore_mem>>
        %dma_start3A_98 = tpu.memref_slice %arg4[%mul3A_93] : memref<323584xi32, #tpu.memory_space<hbm>> -> memref<128xi32, #tpu.memory_space<hbm>>
        %dma_start3A_99 = tpu.memref_slice %arg4[%mul3A_93] : memref<323584xi32, #tpu.memory_space<hbm>> -> memref<128xi32, #tpu.memory_space<hbm>>
        tpu.enqueue_dma source(%dma_start3A_99 : memref<128xi32, #tpu.memory_space<hbm>>) target(%arg8 : memref<128xi32, #tpu.memory_space<vmem>>) target_semaphore(%run_scoped3A : memref<!tpu.dma_semaphore, #tpu.memory_space<semaphore_mem>>)
        %dma_wait3A_100 = tpu.memref_slice %arg4[%mul3A_93] : memref<323584xi32, #tpu.memory_space<hbm>> -> memref<128xi32, #tpu.memory_space<hbm>>
        %dma_wait3A_101 = tpu.memref_slice %arg4[%mul3A_93] : memref<323584xi32, #tpu.memory_space<hbm>> -> memref<128xi32, #tpu.memory_space<hbm>>
        tpu.wait_dma2 semaphore(%run_scoped3A : memref<!tpu.dma_semaphore, #tpu.memory_space<semaphore_mem>>) src(%dma_wait3A_101 : memref<128xi32, #tpu.memory_space<hbm>>) dst(%arg8 : memref<128xi32, #tpu.memory_space<vmem>>)
        tpu.yield
      }) : () -> ()
      %dma_start3A = arith.constant 0 : i32
      %dma_start3A_94 = arith.constant 0 : i32
      %dma_start3A_95 = tpu.memref_slice %arg2[%dma_start3A, %dma_start3A_94] : memref<10000x128xf32, #tpu.memory_space<hbm>> -> memref<10000x128xf32, #tpu.memory_space<hbm>>
      tpu.enqueue_indirect_dma source(%dma_start3A_95 : memref<10000x128xf32, #tpu.memory_space<hbm>>) target(%arg9 : memref<128x128xf32, #tpu.memory_space<vmem>>) offsets(%arg7 : memref<128xi32, #tpu.memory_space<vmem>>) semaphore(%arg11 : memref<!tpu.dma_semaphore, #tpu.memory_space<semaphore_mem>>)
      %dma_wait3A = arith.constant 0 : i32
      %dma_wait3A_96 = arith.constant 0 : i32
      %dma_wait3A_97 = tpu.memref_slice %arg2[%dma_wait3A, %dma_wait3A_96] : memref<10000x128xf32, #tpu.memory_space<hbm>> -> memref<10000x128xf32, #tpu.memory_space<hbm>>
      tpu.wait_indirect_dma semaphore(%arg11 : memref<!tpu.dma_semaphore, #tpu.memory_space<semaphore_mem>>) src(%dma_wait3A_97 : memref<10000x128xf32, #tpu.memory_space<hbm>>) dst(%arg9 : memref<128x128xf32, #tpu.memory_space<vmem>>)
      "tpu.region"() ({
        %run_scoped3A = tpu.sem_alloc : memref<!tpu.dma_semaphore, #tpu.memory_space<semaphore_mem>>
        %dma_start3A_98 = arith.constant 0 : i32
        %dma_start3A_99 = arith.constant 0 : i32
        %dma_start3A_100 = tpu.memref_slice %arg10[%dma_start3A_98, %dma_start3A_99] : memref<10240x128xf32, #tpu.memory_space<vmem_shared>> -> memref<10240x128xf32, #tpu.memory_space<vmem_shared>>
        tpu.enqueue_indirect_dma source(%arg9 : memref<128x128xf32, #tpu.memory_space<vmem>>) target(%dma_start3A_100 : memref<10240x128xf32, #tpu.memory_space<vmem_shared>>) offsets(%arg8 : memref<128xi32, #tpu.memory_space<vmem>>) semaphore(%run_scoped3A : memref<!tpu.dma_semaphore, #tpu.memory_space<semaphore_mem>>) {add = true}
        %dma_wait3A_101 = arith.constant 0 : i32
        %dma_wait3A_102 = arith.constant 0 : i32
        %dma_wait3A_103 = tpu.memref_slice %arg10[%dma_wait3A_101, %dma_wait3A_102] : memref<10240x128xf32, #tpu.memory_space<vmem_shared>> -> memref<10240x128xf32, #tpu.memory_space<vmem_shared>>
        tpu.wait_indirect_dma semaphore(%run_scoped3A : memref<!tpu.dma_semaphore, #tpu.memory_space<semaphore_mem>>) src(%arg9 : memref<128x128xf32, #tpu.memory_space<vmem>>) dst(%dma_wait3A_103 : memref<10240x128xf32, #tpu.memory_space<vmem_shared>>)
        tpu.yield
      }) : () -> ()
    }
    %scan3A_26 = arith.constant 79 : i32
    %barrier3A_27 = arith.constant 0 : index
    tpu.barrier barrier_id(%barrier3A_27)
    %mul3A_28 = arith.constant 640 : i32
    %mul3A_29 = arith.muli %arg1, %mul3A_28 : i32
    %add3A_30 = arith.constant 0 : i32
    %add3A_31 = arith.addi %mul3A_29, %add3A_30 : i32
    "tpu.region"() ({
      %run_scoped3A = tpu.sem_alloc : memref<!tpu.dma_semaphore, #tpu.memory_space<semaphore_mem>>
      %dma_start3A = arith.constant 0 : i32
      %dma_start3A_83 = tpu.memref_slice %arg10[%add3A_31, %dma_start3A] : memref<10240x128xf32, #tpu.memory_space<vmem_shared>> -> memref<128x128xf32, #tpu.memory_space<vmem_shared>>
      %dma_start3A_84 = arith.constant 0 : i32
      %dma_start3A_85 = tpu.memref_slice %arg10[%add3A_31, %dma_start3A_84] : memref<10240x128xf32, #tpu.memory_space<vmem_shared>> -> memref<128x128xf32, #tpu.memory_space<vmem_shared>>
      tpu.enqueue_dma source(%dma_start3A_85 : memref<128x128xf32, #tpu.memory_space<vmem_shared>>) target(%arg9 : memref<128x128xf32, #tpu.memory_space<vmem>>) target_semaphore(%run_scoped3A : memref<!tpu.dma_semaphore, #tpu.memory_space<semaphore_mem>>)
      %dma_wait3A = arith.constant 0 : i32
      %dma_wait3A_86 = tpu.memref_slice %arg10[%add3A_31, %dma_wait3A] : memref<10240x128xf32, #tpu.memory_space<vmem_shared>> -> memref<128x128xf32, #tpu.memory_space<vmem_shared>>
      %dma_wait3A_87 = arith.constant 0 : i32
      %dma_wait3A_88 = tpu.memref_slice %arg10[%add3A_31, %dma_wait3A_87] : memref<10240x128xf32, #tpu.memory_space<vmem_shared>> -> memref<128x128xf32, #tpu.memory_space<vmem_shared>>
      tpu.wait_dma2 semaphore(%run_scoped3A : memref<!tpu.dma_semaphore, #tpu.memory_space<semaphore_mem>>) src(%dma_wait3A_88 : memref<128x128xf32, #tpu.memory_space<vmem_shared>>) dst(%arg9 : memref<128x128xf32, #tpu.memory_space<vmem>>)
      tpu.yield
    }) : () -> ()
    %mul3A_32 = arith.constant 10240 : i32
    %mul3A_33 = arith.muli %arg0, %mul3A_32 : i32
    %mul3A_34 = arith.constant 640 : i32
    %mul3A_35 = arith.muli %arg1, %mul3A_34 : i32
    %add3A_36 = arith.addi %mul3A_33, %mul3A_35 : i32
    %add3A_37 = arith.constant 0 : i32
    %add3A_38 = arith.addi %add3A_36, %add3A_37 : i32
    "tpu.region"() ({
      %run_scoped3A = tpu.sem_alloc : memref<!tpu.dma_semaphore, #tpu.memory_space<semaphore_mem>>
      %dma_start3A = arith.constant 0 : i32
      %dma_start3A_83 = tpu.memref_slice %arg6[%add3A_38, %dma_start3A] : memref<20480x128xf32, #tpu.memory_space<hbm>> -> memref<128x128xf32, #tpu.memory_space<hbm>>
      %dma_start3A_84 = arith.constant 0 : i32
      %dma_start3A_85 = tpu.memref_slice %arg6[%add3A_38, %dma_start3A_84] : memref<20480x128xf32, #tpu.memory_space<hbm>> -> memref<128x128xf32, #tpu.memory_space<hbm>>
      tpu.enqueue_dma source(%arg9 : memref<128x128xf32, #tpu.memory_space<vmem>>) target(%dma_start3A_85 : memref<128x128xf32, #tpu.memory_space<hbm>>) target_semaphore(%run_scoped3A : memref<!tpu.dma_semaphore, #tpu.memory_space<semaphore_mem>>)
      %dma_wait3A = arith.constant 0 : i32
      %dma_wait3A_86 = tpu.memref_slice %arg6[%add3A_38, %dma_wait3A] : memref<20480x128xf32, #tpu.memory_space<hbm>> -> memref<128x128xf32, #tpu.memory_space<hbm>>
      %dma_wait3A_87 = arith.constant 0 : i32
      %dma_wait3A_88 = tpu.memref_slice %arg6[%add3A_38, %dma_wait3A_87] : memref<20480x128xf32, #tpu.memory_space<hbm>> -> memref<128x128xf32, #tpu.memory_space<hbm>>
      tpu.wait_dma2 semaphore(%run_scoped3A : memref<!tpu.dma_semaphore, #tpu.memory_space<semaphore_mem>>) src(%arg9 : memref<128x128xf32, #tpu.memory_space<vmem>>) dst(%dma_wait3A_88 : memref<128x128xf32, #tpu.memory_space<hbm>>)
      tpu.yield
    }) : () -> ()
    %mul3A_39 = arith.constant 640 : i32
    %mul3A_40 = arith.muli %arg1, %mul3A_39 : i32
    %add3A_41 = arith.constant 128 : i32
    %add3A_42 = arith.addi %mul3A_40, %add3A_41 : i32
    "tpu.region"() ({
      %run_scoped3A = tpu.sem_alloc : memref<!tpu.dma_semaphore, #tpu.memory_space<semaphore_mem>>
      %dma_start3A = arith.constant 0 : i32
      %dma_start3A_83 = tpu.memref_slice %arg10[%add3A_42, %dma_start3A] : memref<10240x128xf32, #tpu.memory_space<vmem_shared>> -> memref<128x128xf32, #tpu.memory_space<vmem_shared>>
      %dma_start3A_84 = arith.constant 0 : i32
      %dma_start3A_85 = tpu.memref_slice %arg10[%add3A_42, %dma_start3A_84] : memref<10240x128xf32, #tpu.memory_space<vmem_shared>> -> memref<128x128xf32, #tpu.memory_space<vmem_shared>>
      tpu.enqueue_dma source(%dma_start3A_85 : memref<128x128xf32, #tpu.memory_space<vmem_shared>>) target(%arg9 : memref<128x128xf32, #tpu.memory_space<vmem>>) target_semaphore(%run_scoped3A : memref<!tpu.dma_semaphore, #tpu.memory_space<semaphore_mem>>)
      %dma_wait3A = arith.constant 0 : i32
      %dma_wait3A_86 = tpu.memref_slice %arg10[%add3A_42, %dma_wait3A] : memref<10240x128xf32, #tpu.memory_space<vmem_shared>> -> memref<128x128xf32, #tpu.memory_space<vmem_shared>>
      %dma_wait3A_87 = arith.constant 0 : i32
      %dma_wait3A_88 = tpu.memref_slice %arg10[%add3A_42, %dma_wait3A_87] : memref<10240x128xf32, #tpu.memory_space<vmem_shared>> -> memref<128x128xf32, #tpu.memory_space<vmem_shared>>
      tpu.wait_dma2 semaphore(%run_scoped3A : memref<!tpu.dma_semaphore, #tpu.memory_space<semaphore_mem>>) src(%dma_wait3A_88 : memref<128x128xf32, #tpu.memory_space<vmem_shared>>) dst(%arg9 : memref<128x128xf32, #tpu.memory_space<vmem>>)
      tpu.yield
    }) : () -> ()
    %mul3A_43 = arith.constant 10240 : i32
    %mul3A_44 = arith.muli %arg0, %mul3A_43 : i32
    %mul3A_45 = arith.constant 640 : i32
    %mul3A_46 = arith.muli %arg1, %mul3A_45 : i32
    %add3A_47 = arith.addi %mul3A_44, %mul3A_46 : i32
    %add3A_48 = arith.constant 128 : i32
    %add3A_49 = arith.addi %add3A_47, %add3A_48 : i32
    "tpu.region"() ({
      %run_scoped3A = tpu.sem_alloc : memref<!tpu.dma_semaphore, #tpu.memory_space<semaphore_mem>>
      %dma_start3A = arith.constant 0 : i32
      %dma_start3A_83 = tpu.memref_slice %arg6[%add3A_49, %dma_start3A] : memref<20480x128xf32, #tpu.memory_space<hbm>> -> memref<128x128xf32, #tpu.memory_space<hbm>>
      %dma_start3A_84 = arith.constant 0 : i32
      %dma_start3A_85 = tpu.memref_slice %arg6[%add3A_49, %dma_start3A_84] : memref<20480x128xf32, #tpu.memory_space<hbm>> -> memref<128x128xf32, #tpu.memory_space<hbm>>
      tpu.enqueue_dma source(%arg9 : memref<128x128xf32, #tpu.memory_space<vmem>>) target(%dma_start3A_85 : memref<128x128xf32, #tpu.memory_space<hbm>>) target_semaphore(%run_scoped3A : memref<!tpu.dma_semaphore, #tpu.memory_space<semaphore_mem>>)
      %dma_wait3A = arith.constant 0 : i32
      %dma_wait3A_86 = tpu.memref_slice %arg6[%add3A_49, %dma_wait3A] : memref<20480x128xf32, #tpu.memory_space<hbm>> -> memref<128x128xf32, #tpu.memory_space<hbm>>
      %dma_wait3A_87 = arith.constant 0 : i32
      %dma_wait3A_88 = tpu.memref_slice %arg6[%add3A_49, %dma_wait3A_87] : memref<20480x128xf32, #tpu.memory_space<hbm>> -> memref<128x128xf32, #tpu.memory_space<hbm>>
      tpu.wait_dma2 semaphore(%run_scoped3A : memref<!tpu.dma_semaphore, #tpu.memory_space<semaphore_mem>>) src(%arg9 : memref<128x128xf32, #tpu.memory_space<vmem>>) dst(%dma_wait3A_88 : memref<128x128xf32, #tpu.memory_space<hbm>>)
      tpu.yield
    }) : () -> ()
    %mul3A_50 = arith.constant 640 : i32
    %mul3A_51 = arith.muli %arg1, %mul3A_50 : i32
    %add3A_52 = arith.constant 256 : i32
    %add3A_53 = arith.addi %mul3A_51, %add3A_52 : i32
    "tpu.region"() ({
      %run_scoped3A = tpu.sem_alloc : memref<!tpu.dma_semaphore, #tpu.memory_space<semaphore_mem>>
      %dma_start3A = arith.constant 0 : i32
      %dma_start3A_83 = tpu.memref_slice %arg10[%add3A_53, %dma_start3A] : memref<10240x128xf32, #tpu.memory_space<vmem_shared>> -> memref<128x128xf32, #tpu.memory_space<vmem_shared>>
      %dma_start3A_84 = arith.constant 0 : i32
      %dma_start3A_85 = tpu.memref_slice %arg10[%add3A_53, %dma_start3A_84] : memref<10240x128xf32, #tpu.memory_space<vmem_shared>> -> memref<128x128xf32, #tpu.memory_space<vmem_shared>>
      tpu.enqueue_dma source(%dma_start3A_85 : memref<128x128xf32, #tpu.memory_space<vmem_shared>>) target(%arg9 : memref<128x128xf32, #tpu.memory_space<vmem>>) target_semaphore(%run_scoped3A : memref<!tpu.dma_semaphore, #tpu.memory_space<semaphore_mem>>)
      %dma_wait3A = arith.constant 0 : i32
      %dma_wait3A_86 = tpu.memref_slice %arg10[%add3A_53, %dma_wait3A] : memref<10240x128xf32, #tpu.memory_space<vmem_shared>> -> memref<128x128xf32, #tpu.memory_space<vmem_shared>>
      %dma_wait3A_87 = arith.constant 0 : i32
      %dma_wait3A_88 = tpu.memref_slice %arg10[%add3A_53, %dma_wait3A_87] : memref<10240x128xf32, #tpu.memory_space<vmem_shared>> -> memref<128x128xf32, #tpu.memory_space<vmem_shared>>
      tpu.wait_dma2 semaphore(%run_scoped3A : memref<!tpu.dma_semaphore, #tpu.memory_space<semaphore_mem>>) src(%dma_wait3A_88 : memref<128x128xf32, #tpu.memory_space<vmem_shared>>) dst(%arg9 : memref<128x128xf32, #tpu.memory_space<vmem>>)
      tpu.yield
    }) : () -> ()
    %mul3A_54 = arith.constant 10240 : i32
    %mul3A_55 = arith.muli %arg0, %mul3A_54 : i32
    %mul3A_56 = arith.constant 640 : i32
    %mul3A_57 = arith.muli %arg1, %mul3A_56 : i32
    %add3A_58 = arith.addi %mul3A_55, %mul3A_57 : i32
    %add3A_59 = arith.constant 256 : i32
    %add3A_60 = arith.addi %add3A_58, %add3A_59 : i32
    "tpu.region"() ({
      %run_scoped3A = tpu.sem_alloc : memref<!tpu.dma_semaphore, #tpu.memory_space<semaphore_mem>>
      %dma_start3A = arith.constant 0 : i32
      %dma_start3A_83 = tpu.memref_slice %arg6[%add3A_60, %dma_start3A] : memref<20480x128xf32, #tpu.memory_space<hbm>> -> memref<128x128xf32, #tpu.memory_space<hbm>>
      %dma_start3A_84 = arith.constant 0 : i32
      %dma_start3A_85 = tpu.memref_slice %arg6[%add3A_60, %dma_start3A_84] : memref<20480x128xf32, #tpu.memory_space<hbm>> -> memref<128x128xf32, #tpu.memory_space<hbm>>
      tpu.enqueue_dma source(%arg9 : memref<128x128xf32, #tpu.memory_space<vmem>>) target(%dma_start3A_85 : memref<128x128xf32, #tpu.memory_space<hbm>>) target_semaphore(%run_scoped3A : memref<!tpu.dma_semaphore, #tpu.memory_space<semaphore_mem>>)
      %dma_wait3A = arith.constant 0 : i32
      %dma_wait3A_86 = tpu.memref_slice %arg6[%add3A_60, %dma_wait3A] : memref<20480x128xf32, #tpu.memory_space<hbm>> -> memref<128x128xf32, #tpu.memory_space<hbm>>
      %dma_wait3A_87 = arith.constant 0 : i32
      %dma_wait3A_88 = tpu.memref_slice %arg6[%add3A_60, %dma_wait3A_87] : memref<20480x128xf32, #tpu.memory_space<hbm>> -> memref<128x128xf32, #tpu.memory_space<hbm>>
      tpu.wait_dma2 semaphore(%run_scoped3A : memref<!tpu.dma_semaphore, #tpu.memory_space<semaphore_mem>>) src(%arg9 : memref<128x128xf32, #tpu.memory_space<vmem>>) dst(%dma_wait3A_88 : memref<128x128xf32, #tpu.memory_space<hbm>>)
      tpu.yield
    }) : () -> ()
    %mul3A_61 = arith.constant 640 : i32
    %mul3A_62 = arith.muli %arg1, %mul3A_61 : i32
    %add3A_63 = arith.constant 384 : i32
    %add3A_64 = arith.addi %mul3A_62, %add3A_63 : i32
    "tpu.region"() ({
      %run_scoped3A = tpu.sem_alloc : memref<!tpu.dma_semaphore, #tpu.memory_space<semaphore_mem>>
      %dma_start3A = arith.constant 0 : i32
      %dma_start3A_83 = tpu.memref_slice %arg10[%add3A_64, %dma_start3A] : memref<10240x128xf32, #tpu.memory_space<vmem_shared>> -> memref<128x128xf32, #tpu.memory_space<vmem_shared>>
      %dma_start3A_84 = arith.constant 0 : i32
      %dma_start3A_85 = tpu.memref_slice %arg10[%add3A_64, %dma_start3A_84] : memref<10240x128xf32, #tpu.memory_space<vmem_shared>> -> memref<128x128xf32, #tpu.memory_space<vmem_shared>>
      tpu.enqueue_dma source(%dma_start3A_85 : memref<128x128xf32, #tpu.memory_space<vmem_shared>>) target(%arg9 : memref<128x128xf32, #tpu.memory_space<vmem>>) target_semaphore(%run_scoped3A : memref<!tpu.dma_semaphore, #tpu.memory_space<semaphore_mem>>)
      %dma_wait3A = arith.constant 0 : i32
      %dma_wait3A_86 = tpu.memref_slice %arg10[%add3A_64, %dma_wait3A] : memref<10240x128xf32, #tpu.memory_space<vmem_shared>> -> memref<128x128xf32, #tpu.memory_space<vmem_shared>>
      %dma_wait3A_87 = arith.constant 0 : i32
      %dma_wait3A_88 = tpu.memref_slice %arg10[%add3A_64, %dma_wait3A_87] : memref<10240x128xf32, #tpu.memory_space<vmem_shared>> -> memref<128x128xf32, #tpu.memory_space<vmem_shared>>
      tpu.wait_dma2 semaphore(%run_scoped3A : memref<!tpu.dma_semaphore, #tpu.memory_space<semaphore_mem>>) src(%dma_wait3A_88 : memref<128x128xf32, #tpu.memory_space<vmem_shared>>) dst(%arg9 : memref<128x128xf32, #tpu.memory_space<vmem>>)
      tpu.yield
    }) : () -> ()
    %mul3A_65 = arith.constant 10240 : i32
    %mul3A_66 = arith.muli %arg0, %mul3A_65 : i32
    %mul3A_67 = arith.constant 640 : i32
    %mul3A_68 = arith.muli %arg1, %mul3A_67 : i32
    %add3A_69 = arith.addi %mul3A_66, %mul3A_68 : i32
    %add3A_70 = arith.constant 384 : i32
    %add3A_71 = arith.addi %add3A_69, %add3A_70 : i32
    "tpu.region"() ({
      %run_scoped3A = tpu.sem_alloc : memref<!tpu.dma_semaphore, #tpu.memory_space<semaphore_mem>>
      %dma_start3A = arith.constant 0 : i32
      %dma_start3A_83 = tpu.memref_slice %arg6[%add3A_71, %dma_start3A] : memref<20480x128xf32, #tpu.memory_space<hbm>> -> memref<128x128xf32, #tpu.memory_space<hbm>>
      %dma_start3A_84 = arith.constant 0 : i32
      %dma_start3A_85 = tpu.memref_slice %arg6[%add3A_71, %dma_start3A_84] : memref<20480x128xf32, #tpu.memory_space<hbm>> -> memref<128x128xf32, #tpu.memory_space<hbm>>
      tpu.enqueue_dma source(%arg9 : memref<128x128xf32, #tpu.memory_space<vmem>>) target(%dma_start3A_85 : memref<128x128xf32, #tpu.memory_space<hbm>>) target_semaphore(%run_scoped3A : memref<!tpu.dma_semaphore, #tpu.memory_space<semaphore_mem>>)
      %dma_wait3A = arith.constant 0 : i32
      %dma_wait3A_86 = tpu.memref_slice %arg6[%add3A_71, %dma_wait3A] : memref<20480x128xf32, #tpu.memory_space<hbm>> -> memref<128x128xf32, #tpu.memory_space<hbm>>
      %dma_wait3A_87 = arith.constant 0 : i32
      %dma_wait3A_88 = tpu.memref_slice %arg6[%add3A_71, %dma_wait3A_87] : memref<20480x128xf32, #tpu.memory_space<hbm>> -> memref<128x128xf32, #tpu.memory_space<hbm>>
      tpu.wait_dma2 semaphore(%run_scoped3A : memref<!tpu.dma_semaphore, #tpu.memory_space<semaphore_mem>>) src(%arg9 : memref<128x128xf32, #tpu.memory_space<vmem>>) dst(%dma_wait3A_88 : memref<128x128xf32, #tpu.memory_space<hbm>>)
      tpu.yield
    }) : () -> ()
    %mul3A_72 = arith.constant 640 : i32
    %mul3A_73 = arith.muli %arg1, %mul3A_72 : i32
    %add3A_74 = arith.constant 512 : i32
    %add3A_75 = arith.addi %mul3A_73, %add3A_74 : i32
    "tpu.region"() ({
      %run_scoped3A = tpu.sem_alloc : memref<!tpu.dma_semaphore, #tpu.memory_space<semaphore_mem>>
      %dma_start3A = arith.constant 0 : i32
      %dma_start3A_83 = tpu.memref_slice %arg10[%add3A_75, %dma_start3A] : memref<10240x128xf32, #tpu.memory_space<vmem_shared>> -> memref<128x128xf32, #tpu.memory_space<vmem_shared>>
      %dma_start3A_84 = arith.constant 0 : i32
      %dma_start3A_85 = tpu.memref_slice %arg10[%add3A_75, %dma_start3A_84] : memref<10240x128xf32, #tpu.memory_space<vmem_shared>> -> memref<128x128xf32, #tpu.memory_space<vmem_shared>>
      tpu.enqueue_dma source(%dma_start3A_85 : memref<128x128xf32, #tpu.memory_space<vmem_shared>>) target(%arg9 : memref<128x128xf32, #tpu.memory_space<vmem>>) target_semaphore(%run_scoped3A : memref<!tpu.dma_semaphore, #tpu.memory_space<semaphore_mem>>)
      %dma_wait3A = arith.constant 0 : i32
      %dma_wait3A_86 = tpu.memref_slice %arg10[%add3A_75, %dma_wait3A] : memref<10240x128xf32, #tpu.memory_space<vmem_shared>> -> memref<128x128xf32, #tpu.memory_space<vmem_shared>>
      %dma_wait3A_87 = arith.constant 0 : i32
      %dma_wait3A_88 = tpu.memref_slice %arg10[%add3A_75, %dma_wait3A_87] : memref<10240x128xf32, #tpu.memory_space<vmem_shared>> -> memref<128x128xf32, #tpu.memory_space<vmem_shared>>
      tpu.wait_dma2 semaphore(%run_scoped3A : memref<!tpu.dma_semaphore, #tpu.memory_space<semaphore_mem>>) src(%dma_wait3A_88 : memref<128x128xf32, #tpu.memory_space<vmem_shared>>) dst(%arg9 : memref<128x128xf32, #tpu.memory_space<vmem>>)
      tpu.yield
    }) : () -> ()
    %mul3A_76 = arith.constant 10240 : i32
    %mul3A_77 = arith.muli %arg0, %mul3A_76 : i32
    %mul3A_78 = arith.constant 640 : i32
    %mul3A_79 = arith.muli %arg1, %mul3A_78 : i32
    %add3A_80 = arith.addi %mul3A_77, %mul3A_79 : i32
    %add3A_81 = arith.constant 512 : i32
    %add3A_82 = arith.addi %add3A_80, %add3A_81 : i32
    "tpu.region"() ({
      %run_scoped3A = tpu.sem_alloc : memref<!tpu.dma_semaphore, #tpu.memory_space<semaphore_mem>>
      %dma_start3A = arith.constant 0 : i32
      %dma_start3A_83 = tpu.memref_slice %arg6[%add3A_82, %dma_start3A] : memref<20480x128xf32, #tpu.memory_space<hbm>> -> memref<128x128xf32, #tpu.memory_space<hbm>>
      %dma_start3A_84 = arith.constant 0 : i32
      %dma_start3A_85 = tpu.memref_slice %arg6[%add3A_82, %dma_start3A_84] : memref<20480x128xf32, #tpu.memory_space<hbm>> -> memref<128x128xf32, #tpu.memory_space<hbm>>
      tpu.enqueue_dma source(%arg9 : memref<128x128xf32, #tpu.memory_space<vmem>>) target(%dma_start3A_85 : memref<128x128xf32, #tpu.memory_space<hbm>>) target_semaphore(%run_scoped3A : memref<!tpu.dma_semaphore, #tpu.memory_space<semaphore_mem>>)
      %dma_wait3A = arith.constant 0 : i32
      %dma_wait3A_86 = tpu.memref_slice %arg6[%add3A_82, %dma_wait3A] : memref<20480x128xf32, #tpu.memory_space<hbm>> -> memref<128x128xf32, #tpu.memory_space<hbm>>
      %dma_wait3A_87 = arith.constant 0 : i32
      %dma_wait3A_88 = tpu.memref_slice %arg6[%add3A_82, %dma_wait3A_87] : memref<20480x128xf32, #tpu.memory_space<hbm>> -> memref<128x128xf32, #tpu.memory_space<hbm>>
      tpu.wait_dma2 semaphore(%run_scoped3A : memref<!tpu.dma_semaphore, #tpu.memory_space<semaphore_mem>>) src(%arg9 : memref<128x128xf32, #tpu.memory_space<vmem>>) dst(%dma_wait3A_88 : memref<128x128xf32, #tpu.memory_space<hbm>>)
      tpu.yield
    }) : () -> ()
    return
  }
}

module attributes {stable_mosaic.version = 14 : i64} {
  func.func @_combine_body(%arg0: i32, %arg1: memref<1000x128xf32, #tpu.memory_space<vmem>>, %arg2: memref<1000x128xf32, #tpu.memory_space<vmem>>, %arg3: memref<1000x1xf32, #tpu.memory_space<vmem>>, %arg4: memref<1000x1xf32, #tpu.memory_space<vmem>>, %arg5: memref<1000x128xf32, #tpu.memory_space<vmem>>, %arg6: memref<128x128xf32, #tpu.memory_space<vmem>>, %arg7: memref<1x128xf32, #tpu.memory_space<vmem>>, %arg8: memref<128x128xf32, #tpu.memory_space<vmem>>, %arg9: memref<1000x128xf32, #tpu.memory_space<vmem>>) attributes {dimension_semantics = [#tpu.dimension_semantics<arbitrary>], iteration_bounds = array<i64: 10>, scalar_prefetch = 0 : i64, scratch_operands = 0 : i64, tpu.core_type = #tpu.core_type<tc>, window_params = [{transform_indices = @transform_0, window_bounds = array<i64: 1000, 128>}, {transform_indices = @transform_1, window_bounds = array<i64: 1000, 128>}, {transform_indices = @transform_2, window_bounds = array<i64: 1000, 1>}, {transform_indices = @transform_3, window_bounds = array<i64: 1000, 1>}, {transform_indices = @transform_4, window_bounds = array<i64: 1000, 128>}, {pipeline_mode = #tpu.pipeline_mode<synchronous>, transform_indices = @transform_5, window_bounds = array<i64: 128, 128>}, {pipeline_mode = #tpu.pipeline_mode<synchronous>, transform_indices = @transform_6, window_bounds = array<i64: 1, 128>}, {pipeline_mode = #tpu.pipeline_mode<synchronous>, transform_indices = @transform_7, window_bounds = array<i64: 128, 128>}, {transform_indices = @transform_8, window_bounds = array<i64: 1000, 128>}]} {
    %get3A = arith.constant 0 : index
    %get3A_0 = arith.constant 0 : index
    %get3A_1 = vector.load %arg1[%get3A, %get3A_0] : memref<1000x128xf32, #tpu.memory_space<vmem>>, vector<1000x128xf32>
    %get3A_2 = arith.constant 0 : index
    %get3A_3 = arith.constant 0 : index
    %get3A_4 = vector.load %arg2[%get3A_2, %get3A_3] : memref<1000x128xf32, #tpu.memory_space<vmem>>, vector<1000x128xf32>
    %add3A = arith.addf %get3A_1, %get3A_4 : vector<1000x128xf32>
    %get3A_5 = arith.constant 0 : index
    %get3A_6 = arith.constant 0 : index
    %get3A_7 = vector.load %arg3[%get3A_5, %get3A_6] : memref<1000x1xf32, #tpu.memory_space<vmem>>, vector<1000x1xf32>
    %get3A_8 = arith.constant 0 : index
    %get3A_9 = arith.constant 0 : index
    %get3A_10 = vector.load %arg4[%get3A_8, %get3A_9] : memref<1000x1xf32, #tpu.memory_space<vmem>>, vector<1000x1xf32>
    %add3A_11 = arith.addf %get3A_7, %get3A_10 : vector<1000x1xf32>
    %max3A = arith.constant 1.000000e+00 : f32
    %max3A_12 = vector.broadcast %max3A : f32 to vector<1000x1xf32>
    %max3A_13 = arith.maximumf %add3A_11, %max3A_12 : vector<1000x1xf32>
    %div3A = vector.broadcast %max3A_13 : vector<1000x1xf32> to vector<1000x128xf32>
    %div3A_14 = arith.divf %add3A, %div3A : vector<1000x128xf32>
    %get3A_15 = arith.constant 0 : index
    %get3A_16 = arith.constant 0 : index
    %get3A_17 = vector.load %arg6[%get3A_15, %get3A_16] : memref<128x128xf32, #tpu.memory_space<vmem>>, vector<128x128xf32>
    %dot_general3A = arith.constant dense<0.000000e+00> : vector<1000x128xf32>
    %dot_general3A_18 = tpu.matmul %div3A_14, %get3A_17, %dot_general3A {dimension_numbers = #tpu.dot_dimension_numbers<[1], [0], [0], [1], [0, 0, 1, 1], [], []>, transpose_lhs_hint = false} : vector<1000x128xf32>, vector<128x128xf32>, vector<1000x128xf32> -> vector<1000x128xf32>
    %get3A_19 = arith.constant 0 : index
    %get3A_20 = arith.constant 0 : index
    %get3A_21 = vector.load %arg7[%get3A_19, %get3A_20] : memref<1x128xf32, #tpu.memory_space<vmem>>, vector<1x128xf32>
    %add3A_22 = vector.broadcast %get3A_21 : vector<1x128xf32> to vector<1000x128xf32>
    %add3A_23 = arith.addf %dot_general3A_18, %add3A_22 : vector<1000x128xf32>
    %get3A_24 = arith.constant 0 : index
    %get3A_25 = arith.constant 0 : index
    %get3A_26 = vector.load %arg5[%get3A_24, %get3A_25] : memref<1000x128xf32, #tpu.memory_space<vmem>>, vector<1000x128xf32>
    %get3A_27 = arith.constant 0 : index
    %get3A_28 = arith.constant 0 : index
    %get3A_29 = vector.load %arg8[%get3A_27, %get3A_28] : memref<128x128xf32, #tpu.memory_space<vmem>>, vector<128x128xf32>
    %dot_general3A_30 = arith.constant dense<0.000000e+00> : vector<1000x128xf32>
    %dot_general3A_31 = tpu.matmul %get3A_26, %get3A_29, %dot_general3A_30 {dimension_numbers = #tpu.dot_dimension_numbers<[1], [0], [0], [1], [0, 0, 1, 1], [], []>, transpose_lhs_hint = false} : vector<1000x128xf32>, vector<128x128xf32>, vector<1000x128xf32> -> vector<1000x128xf32>
    %add3A_32 = arith.addf %add3A_23, %dot_general3A_31 : vector<1000x128xf32>
    %max3A_33 = arith.constant 0.000000e+00 : f32
    %max3A_34 = vector.broadcast %max3A_33 : f32 to vector<1000x128xf32>
    %max3A_35 = arith.maximumf %add3A_32, %max3A_34 : vector<1000x128xf32>
    %swap3A = arith.constant 0 : index
    %swap3A_36 = arith.constant 0 : index
    %swap3A_37 = vector.load %arg9[%swap3A, %swap3A_36] : memref<1000x128xf32, #tpu.memory_space<vmem>>, vector<1000x128xf32>
    tpu.vector_store %arg9[%swap3A, %swap3A_36], %max3A_35 {strides = array<i32>} : memref<1000x128xf32, #tpu.memory_space<vmem>>, vector<1000x128xf32>,
    return
  }
  func.func @transform_0(%arg0: i32) -> (i32, i32) {
    %c0_i32 = arith.constant 0 : i32
    %c0_i32_0 = arith.constant 0 : i32
    return %arg0, %c0_i32 : i32, i32
  }
  func.func @transform_1(%arg0: i32) -> (i32, i32) {
    %c0_i32 = arith.constant 0 : i32
    %c0_i32_0 = arith.constant 0 : i32
    return %arg0, %c0_i32 : i32, i32
  }
  func.func @transform_2(%arg0: i32) -> (i32, i32) {
    %c0_i32 = arith.constant 0 : i32
    %c0_i32_0 = arith.constant 0 : i32
    return %arg0, %c0_i32 : i32, i32
  }
  func.func @transform_3(%arg0: i32) -> (i32, i32) {
    %c0_i32 = arith.constant 0 : i32
    %c0_i32_0 = arith.constant 0 : i32
    return %arg0, %c0_i32 : i32, i32
  }
  func.func @transform_4(%arg0: i32) -> (i32, i32) {
    %c0_i32 = arith.constant 0 : i32
    %c0_i32_0 = arith.constant 0 : i32
    return %arg0, %c0_i32 : i32, i32
  }
  func.func @transform_5(%arg0: i32) -> (i32, i32) {
    %c0_i32 = arith.constant 0 : i32
    %c0_i32_0 = arith.constant 0 : i32
    %c0_i32_1 = arith.constant 0 : i32
    return %c0_i32, %c0_i32_0 : i32, i32
  }
  func.func @transform_6(%arg0: i32) -> (i32, i32) {
    %c0_i32 = arith.constant 0 : i32
    %c0_i32_0 = arith.constant 0 : i32
    %c0_i32_1 = arith.constant 0 : i32
    return %c0_i32, %c0_i32_0 : i32, i32
  }
  func.func @transform_7(%arg0: i32) -> (i32, i32) {
    %c0_i32 = arith.constant 0 : i32
    %c0_i32_0 = arith.constant 0 : i32
    %c0_i32_1 = arith.constant 0 : i32
    return %c0_i32, %c0_i32_0 : i32, i32
  }
  func.func @transform_8(%arg0: i32) -> (i32, i32) {
    %c0_i32 = arith.constant 0 : i32
    %c0_i32_0 = arith.constant 0 : i32
    return %arg0, %c0_i32 : i32, i32
  }
}

module attributes {stable_mosaic.version = 14 : i64} {
  func.func @_combine_body(%arg0: i32, %arg1: memref<1000x128xf32, #tpu.memory_space<vmem>>, %arg2: memref<1000x128xf32, #tpu.memory_space<vmem>>, %arg3: memref<1000x1xf32, #tpu.memory_space<vmem>>, %arg4: memref<1000x1xf32, #tpu.memory_space<vmem>>, %arg5: memref<1000x128xf32, #tpu.memory_space<vmem>>, %arg6: memref<128x128xf32, #tpu.memory_space<vmem>>, %arg7: memref<1x128xf32, #tpu.memory_space<vmem>>, %arg8: memref<128x128xf32, #tpu.memory_space<vmem>>, %arg9: memref<1000x128xf32, #tpu.memory_space<vmem>>) attributes {dimension_semantics = [#tpu.dimension_semantics<arbitrary>], iteration_bounds = array<i64: 10>, scalar_prefetch = 0 : i64, scratch_operands = 0 : i64, tpu.core_type = #tpu.core_type<tc>, window_params = [{transform_indices = @transform_0, window_bounds = array<i64: 1000, 128>}, {transform_indices = @transform_1, window_bounds = array<i64: 1000, 128>}, {transform_indices = @transform_2, window_bounds = array<i64: 1000, 1>}, {transform_indices = @transform_3, window_bounds = array<i64: 1000, 1>}, {transform_indices = @transform_4, window_bounds = array<i64: 1000, 128>}, {pipeline_mode = #tpu.pipeline_mode<synchronous>, transform_indices = @transform_5, window_bounds = array<i64: 128, 128>}, {pipeline_mode = #tpu.pipeline_mode<synchronous>, transform_indices = @transform_6, window_bounds = array<i64: 1, 128>}, {pipeline_mode = #tpu.pipeline_mode<synchronous>, transform_indices = @transform_7, window_bounds = array<i64: 128, 128>}, {transform_indices = @transform_8, window_bounds = array<i64: 1000, 128>}]} {
    %get3A = arith.constant 0 : index
    %get3A_0 = arith.constant 0 : index
    %get3A_1 = vector.load %arg1[%get3A, %get3A_0] : memref<1000x128xf32, #tpu.memory_space<vmem>>, vector<1000x128xf32>
    %get3A_2 = arith.constant 0 : index
    %get3A_3 = arith.constant 0 : index
    %get3A_4 = vector.load %arg2[%get3A_2, %get3A_3] : memref<1000x128xf32, #tpu.memory_space<vmem>>, vector<1000x128xf32>
    %add3A = arith.addf %get3A_1, %get3A_4 : vector<1000x128xf32>
    %get3A_5 = arith.constant 0 : index
    %get3A_6 = arith.constant 0 : index
    %get3A_7 = vector.load %arg3[%get3A_5, %get3A_6] : memref<1000x1xf32, #tpu.memory_space<vmem>>, vector<1000x1xf32>
    %get3A_8 = arith.constant 0 : index
    %get3A_9 = arith.constant 0 : index
    %get3A_10 = vector.load %arg4[%get3A_8, %get3A_9] : memref<1000x1xf32, #tpu.memory_space<vmem>>, vector<1000x1xf32>
    %add3A_11 = arith.addf %get3A_7, %get3A_10 : vector<1000x1xf32>
    %max3A = arith.constant 1.000000e+00 : f32
    %max3A_12 = vector.broadcast %max3A : f32 to vector<1000x1xf32>
    %max3A_13 = arith.maximumf %add3A_11, %max3A_12 : vector<1000x1xf32>
    %div3A = vector.broadcast %max3A_13 : vector<1000x1xf32> to vector<1000x128xf32>
    %div3A_14 = arith.divf %add3A, %div3A : vector<1000x128xf32>
    %get3A_15 = arith.constant 0 : index
    %get3A_16 = arith.constant 0 : index
    %get3A_17 = vector.load %arg6[%get3A_15, %get3A_16] : memref<128x128xf32, #tpu.memory_space<vmem>>, vector<128x128xf32>
    %dot_general3A = arith.constant dense<0.000000e+00> : vector<1000x128xf32>
    %dot_general3A_18 = tpu.matmul %div3A_14, %get3A_17, %dot_general3A {dimension_numbers = #tpu.dot_dimension_numbers<[1], [0], [0], [1], [0, 0, 1, 1], [], []>, transpose_lhs_hint = false} : vector<1000x128xf32>, vector<128x128xf32>, vector<1000x128xf32> -> vector<1000x128xf32>
    %get3A_19 = arith.constant 0 : index
    %get3A_20 = arith.constant 0 : index
    %get3A_21 = vector.load %arg7[%get3A_19, %get3A_20] : memref<1x128xf32, #tpu.memory_space<vmem>>, vector<1x128xf32>
    %add3A_22 = vector.broadcast %get3A_21 : vector<1x128xf32> to vector<1000x128xf32>
    %add3A_23 = arith.addf %dot_general3A_18, %add3A_22 : vector<1000x128xf32>
    %get3A_24 = arith.constant 0 : index
    %get3A_25 = arith.constant 0 : index
    %get3A_26 = vector.load %arg5[%get3A_24, %get3A_25] : memref<1000x128xf32, #tpu.memory_space<vmem>>, vector<1000x128xf32>
    %get3A_27 = arith.constant 0 : index
    %get3A_28 = arith.constant 0 : index
    %get3A_29 = vector.load %arg8[%get3A_27, %get3A_28] : memref<128x128xf32, #tpu.memory_space<vmem>>, vector<128x128xf32>
    %dot_general3A_30 = arith.constant dense<0.000000e+00> : vector<1000x128xf32>
    %dot_general3A_31 = tpu.matmul %get3A_26, %get3A_29, %dot_general3A_30 {dimension_numbers = #tpu.dot_dimension_numbers<[1], [0], [0], [1], [0, 0, 1, 1], [], []>, transpose_lhs_hint = false} : vector<1000x128xf32>, vector<128x128xf32>, vector<1000x128xf32> -> vector<1000x128xf32>
    %add3A_32 = arith.addf %add3A_23, %dot_general3A_31 : vector<1000x128xf32>
    %max3A_33 = arith.constant 0.000000e+00 : f32
    %max3A_34 = vector.broadcast %max3A_33 : f32 to vector<1000x128xf32>
    %max3A_35 = arith.maximumf %add3A_32, %max3A_34 : vector<1000x128xf32>
    %swap3A = arith.constant 0 : index
    %swap3A_36 = arith.constant 0 : index
    %swap3A_37 = vector.load %arg9[%swap3A, %swap3A_36] : memref<1000x128xf32, #tpu.memory_space<vmem>>, vector<1000x128xf32>
    tpu.vector_store %arg9[%swap3A, %swap3A_36], %max3A_35 {strides = array<i32>} : memref<1000x128xf32, #tpu.memory_space<vmem>>, vector<1000x128xf32>,
    return
  }
  func.func @transform_0(%arg0: i32) -> (i32, i32) {
    %c0_i32 = arith.constant 0 : i32
    %c0_i32_0 = arith.constant 0 : i32
    return %arg0, %c0_i32 : i32, i32
  }
  func.func @transform_1(%arg0: i32) -> (i32, i32) {
    %c0_i32 = arith.constant 0 : i32
    %c0_i32_0 = arith.constant 0 : i32
    return %arg0, %c0_i32 : i32, i32
  }
  func.func @transform_2(%arg0: i32) -> (i32, i32) {
    %c0_i32 = arith.constant 0 : i32
    %c0_i32_0 = arith.constant 0 : i32
    return %arg0, %c0_i32 : i32, i32
  }
  func.func @transform_3(%arg0: i32) -> (i32, i32) {
    %c0_i32 = arith.constant 0 : i32
    %c0_i32_0 = arith.constant 0 : i32
    return %arg0, %c0_i32 : i32, i32
  }
  func.func @transform_4(%arg0: i32) -> (i32, i32) {
    %c0_i32 = arith.constant 0 : i32
    %c0_i32_0 = arith.constant 0 : i32
    return %arg0, %c0_i32 : i32, i32
  }
  func.func @transform_5(%arg0: i32) -> (i32, i32) {
    %c0_i32 = arith.constant 0 : i32
    %c0_i32_0 = arith.constant 0 : i32
    %c0_i32_1 = arith.constant 0 : i32
    return %c0_i32, %c0_i32_0 : i32, i32
  }
  func.func @transform_6(%arg0: i32) -> (i32, i32) {
    %c0_i32 = arith.constant 0 : i32
    %c0_i32_0 = arith.constant 0 : i32
    %c0_i32_1 = arith.constant 0 : i32
    return %c0_i32, %c0_i32_0 : i32, i32
  }
  func.func @transform_7(%arg0: i32) -> (i32, i32) {
    %c0_i32 = arith.constant 0 : i32
    %c0_i32_0 = arith.constant 0 : i32
    %c0_i32_1 = arith.constant 0 : i32
    return %c0_i32, %c0_i32_0 : i32, i32
  }
  func.func @transform_8(%arg0: i32) -> (i32, i32) {
    %c0_i32 = arith.constant 0 : i32
    %c0_i32_0 = arith.constant 0 : i32
    return %arg0, %c0_i32 : i32, i32
  }
}

</mosaic_0001>

<sc_bundles>
// kernel: kernel.6.cloned.1.call-start
scs
__scs_entry_jumppad:
0x0: {  	(pc) =	sbr.rel $0x88, $3  }
0x1: {  	(tag) =	ssettag $0x0;
	lr =	simm.s32 $0x1  }
0x2: {  	[smem:$0x3F99] =	sst lr;
	_ =	strace $0xD0000000  }
0x3: {  	_ = 	snop  }
0x4: {  	_ = 	snop  }
0x5: {  	_ = 	snop  }
0x6: {  	_ = 	snop  }
0x7: {  	_ = 	snop  }
__scs_overlays_trampoline_lowered:
0x8: {  	[smem:$0x3FA8] =	sst s0  }
0x9: {  	[smem:$0x3FA9] =	sst s1  }
0xa: {  	[smem:$0x3FAA] =	sst s2  }
0xb: {  	[smem:$0x3FAB] =	sst s3  }
0xc: {  	[smem:$0x3FAC] =	sst s4  }
0xd: {  	[smem:$0x3FAD] =	sst s5  }
0xe: {  	[smem:$0x3FAE] =	sst s6  }
0xf: {  	[smem:$0x3FAF] =	sst s7  }
0x10: {  	[smem:$0x3FB0] =	sst s8  }
0x11: {  	[smem:$0x3FB1] =	sst s9;
	s0 =	simm.s32 @!p0 $0x0  }
0x12: {  	s1 =	sld [smem:$0x3F97];
	s0 =	simm.s32 @p0 $0x1  }
0x13: {  	[smem:$0x3FB2] =	sst s0;
	s0 =	simm.s32 @!p1 $0x0  }
0x14: {  	s2 =	sld [smem:$0x3F96];
	s0 =	simm.s32 @p1 $0x1  }
0x15: {  	[smem:$0x3FB3] =	sst s0;
	s0 =	simm.s32 @!p2 $0x0  }
0x16: {  	s3 =	sld [smem:$0x3FDB];
	s0 =	simm.s32 @p2 $0x1  }
0x17: {  	s4 =	simm.s32 $0x1BF5;
	[smem:$0x3FB5] =	sst s0  }
0x18: {  	s0 =	sld [smem:$0x3F98];
	_ =	swait.ge [sflag:s4], $0x0  }
0x19: {  	s7 =	sld [smem:$0x3F99]  }
0x1a: {  	s8 =	sadd.s32 $0xFFFFE003, lr  }
0x1b: {  	s9 =	sadd.s32 $0xFFFFFEF7, lr;
	s5 =	simm.s32 $0xFFFFFFFF;
	p2 =	slt.u32 s8, $0xFFFFF086  }
0x1c: {  	p1 =	slt.u32 s9, $0xF7A;
	s5 =	simm.s32 @!p2 $0x0  }
0x1d: {  	s5 =	simm.s32 @p1 $0x1;
	p0 =	seq.s32 s7, s2  }
0x1e: {  	s7 =	smul.u32 @!p0 $0xF7A, s2;
	p2 =	seq.s32 @!p0 s5, $0x0  }
0x1f: {  	s9 =	smul.u32 $0xF7A, s1;
	s8 =	simm.s32 @!p0 $0x1BF5;
	p2 =	por !p2, p0  }
0x20: {  	[sflag:s8] =	ssyncset.s32 @!p0 $0xFFFFF086;
	s6 =	sadd.s32 @!p0 s3, s7;
	s7 =	simm.s32 @!p0 $0x108  }
0x21: {  	s3 =	sadd.s32 s3, s9;
	s6 =	sadd.s32 @!p0 $0x88, s6;
	s7 =	simm.s32 @p2 $0x1082  }
0x22: {  	[simem:s7], [sflag:s8] =	dma.local @!p0 [hbm:s6], $0xF7A  }
0x23: {  	s9 =	sor.u32 $0xD0000000, s2;
	s6 =	simm.s32 $0x108;
	_ =	swait.ge @!p0 [sflag:s8], $0x0  }
0x24: {  	s3 =	sadd.s32 $0x88, s3;
	s6 =	simm.s32 @!p1 $0x1082;
	[sflag:s4] =	ssyncset.s32 $0xFFFFF086  }
0x25: {  	[simem:s6], [sflag:s4] =	dma.local [hbm:s3], $0xF7A  }
0x26: {  	[smem:$0x3F99] =	sst s1;
	(tag) =	ssettag s2;
	_ =	strace s9  }
0x27: {  	s1 =	sld [smem:$0x3FA9]  }
0x28: {  	s2 =	sld [smem:$0x3FAA]  }
0x29: {  	s4 =	sld [smem:$0x3FAC]  }
0x2a: {  	p0 =	seq.s32 s5, $0x0;
	s5 =	sld [smem:$0x3FAD]  }
0x2b: {  	s6 =	sld [smem:$0x3FAE]  }
0x2c: {  	s7 =	sld [smem:$0x3FAF]  }
0x2d: {  	s3 =	simm.s32 $0x108;
	s8 =	sld [smem:$0x3FB0]  }
0x2e: {  	s3 =	simm.s32 @!p0 $0x1082;
	s9 =	sld [smem:$0x3FB1]  }
0x2f: {  	lr =	sadd.s32 s0, s3;
	s0 =	sld [smem:$0x3FA8]  }
0x30: {  	s3 =	sld [smem:$0x3FAB]  }
0x31: {  	[smem:$0x3FB4] =	sst s10  }
0x32: {  	s10 =	sld [smem:$0x3FB2];
	_ =	sdelay $0x3  }
0x33: {  	p0 =	seq.s32 s10, $0x1;
	s10 =	sld [smem:$0x3FB4];
	_ =	sdelay $0x3  }
0x34: {  	[smem:$0x3FB4] =	sst s10  }
0x35: {  	s10 =	sld [smem:$0x3FB3];
	_ =	sdelay $0x3  }
0x36: {  	p1 =	seq.s32 s10, $0x1;
	s10 =	sld [smem:$0x3FB4];
	_ =	sdelay $0x3  }
0x37: {  	[smem:$0x3FB4] =	sst s10  }
0x38: {  	s10 =	sld [smem:$0x3FB5]  }
0x39: {  	_ = 	snop;
	(pc) =	sbr.ind lr, $3  }
0x3a: {  	_ = 	snop  }
0x3b: {  	_ = 	snop  }
0x3c: {  	p2 =	seq.s32 s10, $0x1;
	s10 =	sld [smem:$0x3FB4]  }
0x3d: {  	_ =	shalt  }
0x3e: {  	_ =	shalt  }
0x3f: {  	_ =	shalt  }
0x40: {  	_ =	shalt  }
0x41: {  	_ =	shalt  }
0x42: {  	_ =	shalt  }
0x43: {  	_ =	shalt  }
0x44: {  	_ =	shalt  }
0x45: {  	_ =	shalt  }
0x46: {  	_ =	shalt  }
0x47: {  	_ =	shalt  }
0x48: {  	_ =	shalt  }
0x49: {  	_ =	shalt  }
0x4a: {  	_ =	shalt  }
0x4b: {  	_ =	shalt  }
0x4c: {  	_ =	shalt  }
0x4d: {  	_ =	shalt  }
0x4e: {  	_ =	shalt  }
0x4f: {  	_ =	shalt  }
0x50: {  	_ =	shalt  }
0x51: {  	_ =	shalt  }
0x52: {  	_ =	shalt  }
0x53: {  	_ =	shalt  }
0x54: {  	_ =	shalt  }
0x55: {  	_ =	shalt  }
0x56: {  	_ =	shalt  }
0x57: {  	_ =	shalt  }
0x58: {  	_ =	shalt  }
0x59: {  	_ =	shalt  }
0x5a: {  	_ =	shalt  }
0x5b: {  	_ =	shalt  }
0x5c: {  	_ =	shalt  }
0x5d: {  	_ =	shalt  }
0x5e: {  	_ =	shalt  }
0x5f: {  	_ =	shalt  }
0x60: {  	_ =	shalt  }
0x61: {  	_ =	shalt  }
0x62: {  	_ =	shalt  }
0x63: {  	_ =	shalt  }
0x64: {  	_ =	shalt  }
0x65: {  	_ =	shalt  }
0x66: {  	_ =	shalt  }
0x67: {  	_ =	shalt  }
0x68: {  	_ =	shalt  }
0x69: {  	_ =	shalt  }
0x6a: {  	_ =	shalt  }
0x6b: {  	_ =	shalt  }
0x6c: {  	_ =	shalt  }
0x6d: {  	_ =	shalt  }
0x6e: {  	_ =	shalt  }
0x6f: {  	_ =	shalt  }
0x70: {  	_ =	shalt  }
0x71: {  	_ =	shalt  }
0x72: {  	_ =	shalt  }
0x73: {  	_ =	shalt  }
0x74: {  	_ =	shalt  }
0x75: {  	_ =	shalt  }
0x76: {  	_ =	shalt  }
0x77: {  	_ =	shalt  }
0x78: {  	_ =	shalt  }
0x79: {  	_ =	shalt  }
0x7a: {  	_ =	shalt  }
0x7b: {  	_ =	shalt  }
0x7c: {  	_ =	shalt  }
0x7d: {  	_ =	shalt  }
0x7e: {  	_ =	shalt  }
0x7f: {  	_ =	shalt  }
0x80: {  	_ =	shalt  }
0x81: {  	_ =	shalt  }
0x82: {  	_ =	shalt  }
0x83: {  	_ =	shalt  }
0x84: {  	_ =	shalt  }
0x85: {  	_ =	shalt  }
0x86: {  	_ =	shalt  }
0x87: {  	_ =	shalt  }
.Lfunc_end0:
.L_simem_size_0:
called_computation_lowered:
.L_overlay_start_0:
0x88: {  	s2 =	sld [smem:$0x3FD9]  }
0x89: {  	s3 =	sld [smem:$0x3FFE];
	_ =	sdelay $0x1  }
0x8a: {  	s1 =	srdreg.scid  }
0x8b: {  	s0 =	sand.u32 $0x1, s1  }
0x8c: {  	s17 =	sshll.u32 s0, $0xA;
	s2 =	sadd.s32 s3, s2  }
0x8d: {  	s2 =	sadd.s32 s2, s17  }
0x8e: {  	[smem:$0x3FC0] =	sst s2  }
0x8f: {  	_ = 	snop  }
0x90: {  	s2 =	sld [smem:$0x3FC9]  }
0x91: {  	s18 =	sld [smem:$0x3FD0];
	(tm) =	ssettm $0x1  }
0x92: {  	s4 =	sld [smem:$0x3FFB];
	_ =	sdelay $0x3  }
0x93: {  	_ =	strace s4  }
0x94: {  	s4 =	sld [smem:$0x3FFC];
	_ =	sdelay $0x3  }
0x95: {  	_ =	strace s4  }
0x96: {  	s4 =	sld [smem:$0x3FFD];
	_ =	sdelay $0x3  }
0x97: {  	_ =	strace s4  }
0x98: {  	_ =	strace $0x8FFFFFFF  }
0x99: {  	s19 =	sld [smem:$0x3FDB];
	_ =	sdelay $0x1  }
0x9a: {  	s5 =	simm.s32 $_scs_section_size  }
0x9b: {  	s6 =	simm.s32 $_size__tile_overlayer_lowered;
	s7 =	simm.s32 $_tile_overlayer_lowered  }
0x9c: {  	s22 =	simm.s32 $0x1BFF;
	s21 =	sshll.u32 s7, $0x1;
	s4 =	sadd.s32 s5, s19  }
0x9d: {  	s8 =	simm.s32 $0x0;
	s20 =	sshll.u32 s6, $0x1;
	s6 =	sadd.s32 s21, s4  }
0x9e: {  	[timem:s8], [sflag:s22] =	dma.local [hbm:s6], s20  }
0x9f: {  	_ =	swait.ge [sflag:s22], s20  }
0xa0: {  	s5 =	ssub.s32 $0x0, s20;
	[sflag:s22] =	ssyncset.done $0x0  }
0xa1: {  	[sflag:s22] =	ssyncadd.s32 s5;
	_ =	sdelay $0x1  }
0xa2: {  	s23 =	simm.s32 $0x1B8B  }
0xa3: {  	_ =	swait.ge [sflag:s23], $0x1  }
0xa4: {  	[sflag:s23] =	ssyncset.done $0x0  }
0xa5: {  	s25 =	simm.s32 $0x1B8E;
	s24 =	sld [smem:$0x3FFE];
	[sflag:s23] =	ssyncadd.s32 $0xFFFFFFFF  }
0xa6: {  	s26 =	simm.s32 $execute0_lowered;
	[smem:$0x3FD2] =	sst s25  }
0xa7: {  	s6 =	sshll.u32 s26, $0x1;
	_ =	strace $0x80000046;
	[dreg:$0x1] =	wrdreg $0xFFFFFFFF  }
0xa8: {  	s28 =	simm.s32 $_size_execute0_lowered;
	s4 =	sadd.s32 s4, s6;
	[dreg:$0x0] =	wrdreg $0x0  }
0xa9: {  	s6 =	sshll.u32 s28, $0x1;
	[dreg:$0x2] =	wrdreg s4  }
0xaa: {  	[dreg:$0x3] =	wrdreg s6  }
0xab: {  	[dreg:$0x4] =	wrdreg $0xC0  }
0xac: {  	_ =	task [dreg:s8], $0x5FFFF  }
0xad: {  	[dreg:$0x1] =	wrdreg $0xFFFFFFFF  }
0xae: {  	[dreg:$0x0] =	wrdreg $0x60  }
0xaf: {  	[dreg:$0x2] =	wrdreg s2  }
0xb0: {  	[dreg:$0x3] =	wrdreg s24  }
0xb1: {  	[dreg:$0x4] =	wrdreg s18  }
0xb2: {  	[dreg:$0x5] =	wrdreg $0x41000  }
0xb3: {  	[dreg:$0x6] =	wrdreg $0x1A9800  }
0xb4: {  	[dreg:$0x7] =	wrdreg $0x9  }
0xb5: {  	_ =	task.clear_ibuf [dreg:s8], $0x8FFFF;
	_ =	strace $0x90000046  }
0xb6: {  	s29 =	simm.s32 $0x9;
	_ =	strace $0x80000048  }
0xb7: {  	_ =	swait.ge [sflag:s29], $0x1  }
0xb8: {  	[sflag:s29] =	ssyncadd.s32 $0xFFFFFFFF  }
0xb9: {  	_ =	strace $0x90000048  }
0xba: {  	_ =	sfence  }
0xbb: {  	s30 =	sld [smem:$0x0];
	_ =	sdelay $0x2  }
0xbc: {  	s31 =	sshll.u32 s1, $0xD;
	s1 =	sshrl.u32 s1, $0x2  }
0xbd: {  	s3 =	sand.u32 $0x4000, s31;
	s1 =	sadd.s32 s1, s30  }
0xbe: {  	s0 =	sor.u32 s3, s0;
	s1 =	sshll.u32 s1, $0x11  }
0xbf: {  	s0 =	sor.u32 s1, s0  }
0xc0: {  	s0 =	sadd.s32 $0x8F2B, s0  }
0xc1: {  	[sflag:s0] =	ssyncadd.remote.s32 $0x1  }
0xc2: {  	_ =	sfence.sel $0xFFFF  }
0xc3: {  	[dreg:$0x0] =	wrdreg $0xFFFFFFFF;
	(pc) =	sbr.abs _section_cstart, $3  }
0xc4: {  	[dreg:$0x1] =	wrdreg $0xFFFFFFFF  }
0xc5: {  	_ =	task.clear_ibuf [dreg:s8], $0x2FFFF;
	_ =	strace $0x9FFFFFFF  }
0xc6: {  	(tm) =	ssettm $0x7FFFFFFF  }
0xc7: {  	_ =	shalt  }
tec
execute0_lowered:
.L_overlay_start_1:
0x0: {  	(tag) =	ssettag $0x1  }
0x1: {  	s0 =	rddreg [dreg:$0x0]  }
0x2: {  	s1 =	rddreg [dreg:$0x1]  }
0x3: {  	s19 =	rddreg [dreg:$0x2]  }
0x4: {  	s2 =	rddreg [dreg:$0x3];
	s3 =	srdreg.scid  }
0x5: {  	s4 =	rddreg [dreg:$0x4];
	s24 =	stileid.u32  }
0x6: {  	s5 =	simm.s32 $0x0;
	s28 =	simm.s32 $0x80;
	s8 =	smul.u32 $0x280, s24  }
0x7: {  	s29 =	simm.s32 $0x1;
	s30 =	simm.s32 $0x50;
	s10 =	smul.u32 $0x50000, s24  }
0x8: {  	s31 =	simm.s32 $0x0;
	s12 =	sand.u32 $0x1, s3;
	s22 =	smul.u32 $0x4F0, s24  }
0x9: {  	[smem:$0x7FF] =	sst s5;
	s7 =	sadd.s32 $0x15E00, s1;
	s6 =	smul.u32 $0x4F00, s12  }
0xa: {  	s13 =	sshll.u32 s24, $0xA;
	p0 =	sgt.u32 s24, $0x9;
	s9 =	smul.u32 $0x2800, s12  }
0xb: {  	_ =	strace $0x80000047;
	s25 =	ssub.s32 $0x2, s12;
	s16 =	smul.u32 $0xA, s12  }
0xc: {  	s13 =	sadd.s32 s13, s4;
	s10 =	sshrl.u32 s10, $0x2;
	s11 =	sshrl.u32 s25, $0x1  }
0xd: {  	s20 =	sadd.s32 s6, s1;
	s6 =	sadd.s32 $0x16000, s1;
	s8 =	sadd.s32 s8, s9  }
0xe: {  	s21 =	ssub.s32 s25, s11;
	s18 =	sadd.s32 s24, s16;
	s24 =	simm.s32 $0x2  }
0xf: {  	s25 =	simm.s32 $0x18100;
	s8 =	sshll.u32 s8, $0x4;
	s23 =	sshll.u32 s18, $0x7  }
0x10: {  	s26 =	sadd.s32 s22, s20;
	s20 =	smax.u32 s21, $0x1;
	s1 =	sadd.s32 s8, s1  }
0x11: {  	s8 =	sadd.s32 s10, s2;
	s19 =	sadd.s32 s19, s23;
	s21 =	sadd.s32 $0x2200, s26  }
0x12: {  	s22 =	sadd.s32 $0xC000, s26;
	s23 =	simm.s32 $0x100;
	s26 =	simm.s32 $0x1A900  }
0x13: {  	s9 =	sadd.s32 $0x4000, s8;
	s10 =	sadd.s32 $0x8000, s8;
	s11 =	sadd.s32 $0xC000, s8  }
0x14: {  	s12 =	sadd.s32 $0x10000, s8;
	s14 =	sadd.s32 $0x16800, s1;
	s15 =	sadd.s32 $0x17000, s1  }
0x15: {  	v0 =	vimm.f32 $1.000000000e+00;
	s16 =	sadd.s32 $0x17800, s1;
	s17 =	sadd.s32 $0x18000, s1;
	s18 =	sadd.s32 $0x18800, s1  }
.LBB2_1:
0x16: {  	[tilespmem:s23], [sflag:$0x2] =	stream.linear.gather [hbm4b:s6+s5], $0x4000, $0x38;
	[tilespmem:$0x1AC00] =	vst v63  }
0x17: {  	_ =	swait.ge [sflag:s24], $0x4000  }
0x18: {  	[sflag:s24] =	ssyncset.done $0x0  }
0x19: {  	[sflag:s24] =	ssyncadd.s32 $0xFFFFC000  }
0x1a: {  	[spmem:s8] =	stream.linear.scatter [tilespmem:s23], [sflag:$0x2], $0x4000, $0x38;
	[tilespmem:$0x1AC00] =	vst v63  }
0x1b: {  	_ =	swait.ge [sflag:s24], $0x4000  }
0x1c: {  	[sflag:s24] =	ssyncset.done $0x0  }
0x1d: {  	[sflag:s24] =	ssyncadd.s32 $0xFFFFC000  }
0x1e: {  	[spmem:s9] =	stream.linear.scatter [tilespmem:s23], [sflag:$0x2], $0x4000, $0x38;
	[tilespmem:$0x1AC00] =	vst v63  }
0x1f: {  	_ =	swait.ge [sflag:s24], $0x4000  }
0x20: {  	[sflag:s24] =	ssyncset.done $0x0  }
0x21: {  	[sflag:s24] =	ssyncadd.s32 $0xFFFFC000  }
0x22: {  	[spmem:s10] =	stream.linear.scatter [tilespmem:s23], [sflag:$0x2], $0x4000, $0x38;
	[tilespmem:$0x1AC00] =	vst v63  }
0x23: {  	_ =	swait.ge [sflag:s24], $0x4000  }
0x24: {  	[sflag:s24] =	ssyncset.done $0x0  }
0x25: {  	[sflag:s24] =	ssyncadd.s32 $0xFFFFC000  }
0x26: {  	[spmem:s11] =	stream.linear.scatter [tilespmem:s23], [sflag:$0x2], $0x4000, $0x38;
	[tilespmem:$0x1AC00] =	vst v63  }
0x27: {  	_ =	swait.ge [sflag:s24], $0x4000  }
0x28: {  	[sflag:s24] =	ssyncset.done $0x0  }
0x29: {  	[sflag:s24] =	ssyncadd.s32 $0xFFFFC000  }
0x2a: {  	[spmem:s12] =	stream.linear.scatter [tilespmem:s23], [sflag:$0x2], $0x4000, $0x38;
	[tilespmem:$0x1AC00] =	vst v63  }
0x2b: {  	_ =	swait.ge [sflag:s24], $0x4000  }
0x2c: {  	[sflag:s24] =	ssyncset.done $0x0  }
0x2d: {  	[sflag:s24] =	ssyncadd.s32 $0xFFFFC000  }
0x2e: {  	[tilespmem:s25], [sflag:$0x2] =	stream.linear.gather [hbm4b:s6+s5], $0x2800, $0x38;
	[tilespmem:$0x1AC00] =	vst v63  }
0x2f: {  	_ =	swait.ge [sflag:s24], $0x2800  }
0x30: {  	[sflag:s24] =	ssyncset.done $0x0  }
0x31: {  	[sflag:s24] =	ssyncadd.s32 $0xFFFFD800  }
0x32: {  	[tilespmem:s26], [sflag:$0x2] =	stream.linear.gather [hbm4b:s7+s5], $0x80, $0x38;
	[tilespmem:$0x1AC00] =	vst v63  }
0x33: {  	_ =	swait.ge [sflag:s24], $0x80  }
0x34: {  	[sflag:s24] =	ssyncset.done $0x0  }
0x35: {  	s1 =	simm.s32 @!p0 $0x100;
	[sflag:s24] =	ssyncadd.s32 $0xFFFFFF80  }
0x36: {  	[spmem:s13] =	stream.linear.scatter @!p0 [tilespmem:s1], [sflag:$0x2], $0x400, $0x38;
	[tilespmem:$0x1AC00] =	vst v63  }
0x37: {  	s1 =	simm.s32 @!p0 $0x2  }
0x38: {  	_ =	swait.ge @!p0 [sflag:s1], $0x400  }
0x39: {  	[sflag:s1] =	ssyncset.done @!p0 $0x0  }
0x3a: {  	[sflag:s1] =	ssyncadd.s32 @!p0 $0xFFFFFC00  }
0x3b: {  	s1 =	simm.s32 $0x0;
	[bflag:$0x0] =	sbarrier.arrive $0xFFFF  }
.LBB2_2:
0x3c: {  	s3 =	sadd.s32 s1, s22  }
0x3d: {  	[tilespmem:s5], [sflag:$0x2] =	stream.linear.gather [hbm4b:s3+s5], $0x80, $0x38;
	[tilespmem:$0x1AC00] =	vst v63  }
0x3e: {  	_ =	swait.ge [sflag:s24], $0x80  }
0x3f: {  	[sflag:s24] =	ssyncset.done $0x0  }
0x40: {  	s4 =	sadd.s32 s1, s21;
	[sflag:s24] =	ssyncadd.s32 $0xFFFFFF80  }
0x41: {  	[tilespmem:s28], [sflag:$0x2] =	stream.linear.gather [hbm4b:s4+s5], $0x80, $0x38;
	[tilespmem:$0x1AC00] =	vst v63  }
0x42: {  	_ =	swait.ge [sflag:s24], $0x80  }
0x43: {  	[sflag:s24] =	ssyncset.done $0x0  }
0x44: {  	[sflag:s24] =	ssyncadd.s32 $0xFFFFFF80  }
0x45: {  	[tilespmem:s23], [sflag:$0x1] =	stream.indirect.gather [hbm4b:s0+s28], $0x80, s5, s28, $0xb8;
	[tilespmem:$0x1AC00] =	vst v63  }
0x46: {  	_ =	swait.ge [sflag:s29], $0x4000  }
0x47: {  	[sflag:s29] =	ssyncset.done $0x0  }
0x48: {  	[sflag:s29] =	ssyncadd.s32 $0xFFFFC000  }
0x49: {  	[spmem:s2] =	stream.indirect.scatter.add.f32 [tilespmem:s23], [sflag:$0x2], $0x80, s28, s28, $0xb8;
	[tilespmem:$0x1AC00] =	vst v63  }
0x4a: {  	_ =	swait.ge [sflag:s24], $0x4000  }
0x4b: {  	[sflag:s24] =	ssyncset.done $0x0  }
0x4c: {  	[sflag:s24] =	ssyncadd.s32 $0xFFFFC000  }
0x4d: {  	v1 =	vld [tilespmem:$0x80];
	_ =	sdelay $0x7  }
0x4e: {  	[tilespmem:v1+s25+$0x0] =	vst.idx.add.f32.msk $0xffff, v0  }
0x4f: {  	v1 =	vld [tilespmem:$0x90];
	_ =	sdelay $0x7  }
0x50: {  	[tilespmem:v1+s25+$0x0] =	vst.idx.add.f32.msk $0xffff, v0  }
0x51: {  	v1 =	vld [tilespmem:$0xA0];
	_ =	sdelay $0x7  }
0x52: {  	[tilespmem:v1+s25+$0x0] =	vst.idx.add.f32.msk $0xffff, v0  }
0x53: {  	v1 =	vld [tilespmem:$0xB0];
	_ =	sdelay $0x7  }
0x54: {  	[tilespmem:v1+s25+$0x0] =	vst.idx.add.f32.msk $0xffff, v0  }
0x55: {  	v1 =	vld [tilespmem:$0xC0];
	_ =	sdelay $0x7  }
0x56: {  	[tilespmem:v1+s25+$0x0] =	vst.idx.add.f32.msk $0xffff, v0  }
0x57: {  	v1 =	vld [tilespmem:$0xD0];
	_ =	sdelay $0x7  }
0x58: {  	[tilespmem:v1+s25+$0x0] =	vst.idx.add.f32.msk $0xffff, v0  }
0x59: {  	v1 =	vld [tilespmem:$0xE0];
	_ =	sdelay $0x7  }
0x5a: {  	[tilespmem:v1+s25+$0x0] =	vst.idx.add.f32.msk $0xffff, v0  }
0x5b: {  	v1 =	vld [tilespmem:$0xF0];
	_ =	sdelay $0x2  }
0x5c: {  	p1 =	sne.s32 s1, $0x4E0  }
.Ltmp0:
0x5d: {  	_ = 	snop;
	(pc) =	sbr.rel @p1 .LBB2_2-.Ltmp0, $2  }
0x5e: {  	_ =	sdelay $0x2  }
0x5f: {  	s1 =	sadd.s32 $0x10, s1;
	[tilespmem:v1+s25+$0x0] =	vst.idx.add.f32.msk $0xffff, v0  }
0x60: {  	s1 =	rddreg [dreg:$0x4]  }
0x61: {  	[spmem:s1] =	stream.indirect.scatter.add.f32 [tilespmem:s25], [sflag:$0x2], $0x80, s26, s30, $0xb8;
	[tilespmem:$0x1AC00] =	vst v63  }
0x62: {  	_ =	swait.ge [sflag:s24], $0x2800  }
0x63: {  	[sflag:s24] =	ssyncset.done $0x0  }
0x64: {  	[sflag:s24] =	ssyncadd.s32 $0xFFFFD800  }
0x65: {  	[bflag:$0x0] =	sbarrier.arrive $0xFFFF  }
0x66: {  	[tilespmem:s23], [sflag:$0x2] =	stream.linear.gather [spmem:s8], $0x4000, $0x38;
	[tilespmem:$0x1AC00] =	vst v63  }
0x67: {  	_ =	swait.ge [sflag:s24], $0x4000  }
0x68: {  	[sflag:s24] =	ssyncset.done $0x0  }
0x69: {  	[sflag:s24] =	ssyncadd.s32 $0xFFFFC000  }
0x6a: {  	[hbm4b:s14+s5] =	stream.linear.scatter [tilespmem:s23], [sflag:$0x2], $0x4000, $0x38;
	[tilespmem:$0x1AC00] =	vst v63  }
0x6b: {  	_ =	swait.ge [sflag:s24], $0x4000  }
0x6c: {  	[sflag:s24] =	ssyncset.done $0x0  }
0x6d: {  	[sflag:s24] =	ssyncadd.s32 $0xFFFFC000  }
0x6e: {  	[tilespmem:s23], [sflag:$0x2] =	stream.linear.gather [spmem:s9], $0x4000, $0x38;
	[tilespmem:$0x1AC00] =	vst v63  }
0x6f: {  	_ =	swait.ge [sflag:s24], $0x4000  }
0x70: {  	[sflag:s24] =	ssyncset.done $0x0  }
0x71: {  	[sflag:s24] =	ssyncadd.s32 $0xFFFFC000  }
0x72: {  	[hbm4b:s15+s5] =	stream.linear.scatter [tilespmem:s23], [sflag:$0x2], $0x4000, $0x38;
	[tilespmem:$0x1AC00] =	vst v63  }
0x73: {  	_ =	swait.ge [sflag:s24], $0x4000  }
0x74: {  	[sflag:s24] =	ssyncset.done $0x0  }
0x75: {  	[sflag:s24] =	ssyncadd.s32 $0xFFFFC000  }
0x76: {  	[tilespmem:s23], [sflag:$0x2] =	stream.linear.gather [spmem:s10], $0x4000, $0x38;
	[tilespmem:$0x1AC00] =	vst v63  }
0x77: {  	_ =	swait.ge [sflag:s24], $0x4000  }
0x78: {  	[sflag:s24] =	ssyncset.done $0x0  }
0x79: {  	[sflag:s24] =	ssyncadd.s32 $0xFFFFC000  }
0x7a: {  	[hbm4b:s16+s5] =	stream.linear.scatter [tilespmem:s23], [sflag:$0x2], $0x4000, $0x38;
	[tilespmem:$0x1AC00] =	vst v63  }
0x7b: {  	_ =	swait.ge [sflag:s24], $0x4000  }
0x7c: {  	[sflag:s24] =	ssyncset.done $0x0  }
0x7d: {  	[sflag:s24] =	ssyncadd.s32 $0xFFFFC000  }
0x7e: {  	[tilespmem:s23], [sflag:$0x2] =	stream.linear.gather [spmem:s11], $0x4000, $0x38;
	[tilespmem:$0x1AC00] =	vst v63  }
0x7f: {  	_ =	swait.ge [sflag:s24], $0x4000  }
0x80: {  	[sflag:s24] =	ssyncset.done $0x0  }
0x81: {  	[sflag:s24] =	ssyncadd.s32 $0xFFFFC000  }
0x82: {  	[hbm4b:s17+s5] =	stream.linear.scatter [tilespmem:s23], [sflag:$0x2], $0x4000, $0x38;
	[tilespmem:$0x1AC00] =	vst v63  }
0x83: {  	_ =	swait.ge [sflag:s24], $0x4000  }
0x84: {  	[sflag:s24] =	ssyncset.done $0x0  }
0x85: {  	[sflag:s24] =	ssyncadd.s32 $0xFFFFC000  }
0x86: {  	[tilespmem:s23], [sflag:$0x2] =	stream.linear.gather [spmem:s12], $0x4000, $0x38;
	[tilespmem:$0x1AC00] =	vst v63  }
0x87: {  	_ =	swait.ge [sflag:s24], $0x4000  }
0x88: {  	[sflag:s24] =	ssyncset.done $0x0  }
0x89: {  	[sflag:s24] =	ssyncadd.s32 $0xFFFFC000  }
0x8a: {  	[hbm4b:s18+s5] =	stream.linear.scatter [tilespmem:s23], [sflag:$0x2], $0x4000, $0x38;
	[tilespmem:$0x1AC00] =	vst v63  }
0x8b: {  	_ =	swait.ge [sflag:s24], $0x4000  }
0x8c: {  	[sflag:s24] =	ssyncset.done $0x0  }
0x8d: {  	s3 =	simm.s32 @!p0 $0x2;
	s1 =	simm.s32 @!p0 $0x18100;
	[sflag:s24] =	ssyncadd.s32 $0xFFFFC000  }
0x8e: {  	[tilespmem:s1], [sflag:$0x2] =	stream.linear.gather @!p0 [spmem:s13], $0x400, $0x38;
	[tilespmem:$0x1AC00] =	vst v63  }
0x8f: {  	s31 =	sadd.s32 $0x1, s31;
	_ =	swait.ge @!p0 [sflag:s3], $0x400  }
0x90: {  	p1 =	sne.s32 s31, s20;
	[sflag:s3] =	ssyncset.done @!p0 $0x0  }
.Ltmp1:
0x91: {  	s4 =	simm.s32 @!p0 $0x0;
	[sflag:s3] =	ssyncadd.s32 @!p0 $0xFFFFFC00;
	(pc) =	sbr.rel @p1 .LBB2_1-.Ltmp1, $4  }
0x92: {  	[hbm4b:s19+s4] =	stream.linear.scatter @!p0 [tilespmem:s1], [sflag:$0x2], $0x400, $0x38;
	[tilespmem:$0x1AC00] =	vst v63  }
0x93: {  	_ =	swait.ge @!p0 [sflag:s3], $0x400  }
0x94: {  	[sflag:s3] =	ssyncset.done @!p0 $0x0  }
0x95: {  	[sflag:s3] =	ssyncadd.s32 @!p0 $0xFFFFFC00  }
0x96: {  	_ =	sfence.sel $0x180000  }
0x97: {  	[bflag:$0x0] =	sbarrier.arrive $0xFFFF  }
0x98: {  	_ =	strace $0x90000047  }
0x99: {  	s0 =	stileid.u32;
	[bflag:$0x2] =	sbarrier.arrive $0xFFFF  }
0x9a: {  	p0 =	sne.s32 s0, $0x0;
	s0 =	rddreg [dreg:$0x5]  }
0x9b: {  	s0 =	sadd.s32 @!p0 $0x100000, s0  }
0x9c: {  	[sflag:s0] =	ssyncadd.tile.s32 @!p0 $0x1;
	_ =	shalt  }
.Lfunc_end2:
_tile_overlayer_lowered:
.L_overlay_start_2:
0x9d: {  	(tag) =	ssettag $0x2  }
0x9e: {  	s0 =	rddreg [dreg:$0x0];
	s2 =	stileid.u32  }
0x9f: {  	s1 =	rddreg [dreg:$0x1];
	p0 =	sne.s32 s2, $0x0  }
0xa0: {  	s3 =	rddreg [dreg:$0x2];
	[bflag:$0x3] =	sbarrier.arrive $0xFFFF;
	s2 =	simm.s32 @!p0 $0x1C02  }
0xa1: {  	[timem:s3], [sflag:s2] =	dma.local @!p0 [hbm:s0], s1  }
0xa2: {  	s0 =	simm.s32 @!p0 $0x2  }
0xa3: {  	_ =	swait.ge @!p0 [sflag:s0], s1  }
0xa4: {  	s1 =	ssub.s32 @!p0 $0x0, s1;
	[sflag:s0] =	ssyncset.done @!p0 $0x0  }
0xa5: {  	[sflag:s0] =	ssyncadd.s32 @!p0 s1  }
0xa6: {  	[bflag:$0x3] =	sbarrier.arrive $0xFFFF  }
0xa7: {  	_ =	shalt  }

// kernel: kernel.9.cloned.1.call-start
scs
__scs_entry_jumppad:
0x0: {  	(pc) =	sbr.rel $0x88, $3  }
0x1: {  	(tag) =	ssettag $0x0;
	lr =	simm.s32 $0x1  }
0x2: {  	[smem:$0x3F99] =	sst lr;
	_ =	strace $0xD0000000  }
0x3: {  	_ = 	snop  }
0x4: {  	_ = 	snop  }
0x5: {  	_ = 	snop  }
0x6: {  	_ = 	snop  }
0x7: {  	_ = 	snop  }
__scs_overlays_trampoline_lowered:
0x8: {  	[smem:$0x3FA8] =	sst s0  }
0x9: {  	[smem:$0x3FA9] =	sst s1  }
0xa: {  	[smem:$0x3FAA] =	sst s2  }
0xb: {  	[smem:$0x3FAB] =	sst s3  }
0xc: {  	[smem:$0x3FAC] =	sst s4  }
0xd: {  	[smem:$0x3FAD] =	sst s5  }
0xe: {  	[smem:$0x3FAE] =	sst s6  }
0xf: {  	[smem:$0x3FAF] =	sst s7  }
0x10: {  	[smem:$0x3FB0] =	sst s8  }
0x11: {  	[smem:$0x3FB1] =	sst s9;
	s0 =	simm.s32 @!p0 $0x0  }
0x12: {  	s1 =	sld [smem:$0x3F97];
	s0 =	simm.s32 @p0 $0x1  }
0x13: {  	[smem:$0x3FB2] =	sst s0;
	s0 =	simm.s32 @!p1 $0x0  }
0x14: {  	s2 =	sld [smem:$0x3F96];
	s0 =	simm.s32 @p1 $0x1  }
0x15: {  	[smem:$0x3FB3] =	sst s0;
	s0 =	simm.s32 @!p2 $0x0  }
0x16: {  	s3 =	sld [smem:$0x3FDB];
	s0 =	simm.s32 @p2 $0x1  }
0x17: {  	s4 =	simm.s32 $0x1BF5;
	[smem:$0x3FB5] =	sst s0  }
0x18: {  	s0 =	sld [smem:$0x3F98];
	_ =	swait.ge [sflag:s4], $0x0  }
0x19: {  	s7 =	sld [smem:$0x3F99]  }
0x1a: {  	s8 =	sadd.s32 $0xFFFFE003, lr  }
0x1b: {  	s9 =	sadd.s32 $0xFFFFFEF7, lr;
	s5 =	simm.s32 $0xFFFFFFFF;
	p2 =	slt.u32 s8, $0xFFFFF086  }
0x1c: {  	p1 =	slt.u32 s9, $0xF7A;
	s5 =	simm.s32 @!p2 $0x0  }
0x1d: {  	s5 =	simm.s32 @p1 $0x1;
	p0 =	seq.s32 s7, s2  }
0x1e: {  	s7 =	smul.u32 @!p0 $0xF7A, s2;
	p2 =	seq.s32 @!p0 s5, $0x0  }
0x1f: {  	s9 =	smul.u32 $0xF7A, s1;
	s8 =	simm.s32 @!p0 $0x1BF5;
	p2 =	por !p2, p0  }
0x20: {  	[sflag:s8] =	ssyncset.s32 @!p0 $0xFFFFF086;
	s6 =	sadd.s32 @!p0 s3, s7;
	s7 =	simm.s32 @!p0 $0x108  }
0x21: {  	s3 =	sadd.s32 s3, s9;
	s6 =	sadd.s32 @!p0 $0x88, s6;
	s7 =	simm.s32 @p2 $0x1082  }
0x22: {  	[simem:s7], [sflag:s8] =	dma.local @!p0 [hbm:s6], $0xF7A  }
0x23: {  	s9 =	sor.u32 $0xD0000000, s2;
	s6 =	simm.s32 $0x108;
	_ =	swait.ge @!p0 [sflag:s8], $0x0  }
0x24: {  	s3 =	sadd.s32 $0x88, s3;
	s6 =	simm.s32 @!p1 $0x1082;
	[sflag:s4] =	ssyncset.s32 $0xFFFFF086  }
0x25: {  	[simem:s6], [sflag:s4] =	dma.local [hbm:s3], $0xF7A  }
0x26: {  	[smem:$0x3F99] =	sst s1;
	(tag) =	ssettag s2;
	_ =	strace s9  }
0x27: {  	s1 =	sld [smem:$0x3FA9]  }
0x28: {  	s2 =	sld [smem:$0x3FAA]  }
0x29: {  	s4 =	sld [smem:$0x3FAC]  }
0x2a: {  	p0 =	seq.s32 s5, $0x0;
	s5 =	sld [smem:$0x3FAD]  }
0x2b: {  	s6 =	sld [smem:$0x3FAE]  }
0x2c: {  	s7 =	sld [smem:$0x3FAF]  }
0x2d: {  	s3 =	simm.s32 $0x108;
	s8 =	sld [smem:$0x3FB0]  }
0x2e: {  	s3 =	simm.s32 @!p0 $0x1082;
	s9 =	sld [smem:$0x3FB1]  }
0x2f: {  	lr =	sadd.s32 s0, s3;
	s0 =	sld [smem:$0x3FA8]  }
0x30: {  	s3 =	sld [smem:$0x3FAB]  }
0x31: {  	[smem:$0x3FB4] =	sst s10  }
0x32: {  	s10 =	sld [smem:$0x3FB2];
	_ =	sdelay $0x3  }
0x33: {  	p0 =	seq.s32 s10, $0x1;
	s10 =	sld [smem:$0x3FB4];
	_ =	sdelay $0x3  }
0x34: {  	[smem:$0x3FB4] =	sst s10  }
0x35: {  	s10 =	sld [smem:$0x3FB3];
	_ =	sdelay $0x3  }
0x36: {  	p1 =	seq.s32 s10, $0x1;
	s10 =	sld [smem:$0x3FB4];
	_ =	sdelay $0x3  }
0x37: {  	[smem:$0x3FB4] =	sst s10  }
0x38: {  	s10 =	sld [smem:$0x3FB5]  }
0x39: {  	_ = 	snop;
	(pc) =	sbr.ind lr, $3  }
0x3a: {  	_ = 	snop  }
0x3b: {  	_ = 	snop  }
0x3c: {  	p2 =	seq.s32 s10, $0x1;
	s10 =	sld [smem:$0x3FB4]  }
0x3d: {  	_ =	shalt  }
0x3e: {  	_ =	shalt  }
0x3f: {  	_ =	shalt  }
0x40: {  	_ =	shalt  }
0x41: {  	_ =	shalt  }
0x42: {  	_ =	shalt  }
0x43: {  	_ =	shalt  }
0x44: {  	_ =	shalt  }
0x45: {  	_ =	shalt  }
0x46: {  	_ =	shalt  }
0x47: {  	_ =	shalt  }
0x48: {  	_ =	shalt  }
0x49: {  	_ =	shalt  }
0x4a: {  	_ =	shalt  }
0x4b: {  	_ =	shalt  }
0x4c: {  	_ =	shalt  }
0x4d: {  	_ =	shalt  }
0x4e: {  	_ =	shalt  }
0x4f: {  	_ =	shalt  }
0x50: {  	_ =	shalt  }
0x51: {  	_ =	shalt  }
0x52: {  	_ =	shalt  }
0x53: {  	_ =	shalt  }
0x54: {  	_ =	shalt  }
0x55: {  	_ =	shalt  }
0x56: {  	_ =	shalt  }
0x57: {  	_ =	shalt  }
0x58: {  	_ =	shalt  }
0x59: {  	_ =	shalt  }
0x5a: {  	_ =	shalt  }
0x5b: {  	_ =	shalt  }
0x5c: {  	_ =	shalt  }
0x5d: {  	_ =	shalt  }
0x5e: {  	_ =	shalt  }
0x5f: {  	_ =	shalt  }
0x60: {  	_ =	shalt  }
0x61: {  	_ =	shalt  }
0x62: {  	_ =	shalt  }
0x63: {  	_ =	shalt  }
0x64: {  	_ =	shalt  }
0x65: {  	_ =	shalt  }
0x66: {  	_ =	shalt  }
0x67: {  	_ =	shalt  }
0x68: {  	_ =	shalt  }
0x69: {  	_ =	shalt  }
0x6a: {  	_ =	shalt  }
0x6b: {  	_ =	shalt  }
0x6c: {  	_ =	shalt  }
0x6d: {  	_ =	shalt  }
0x6e: {  	_ =	shalt  }
0x6f: {  	_ =	shalt  }
0x70: {  	_ =	shalt  }
0x71: {  	_ =	shalt  }
0x72: {  	_ =	shalt  }
0x73: {  	_ =	shalt  }
0x74: {  	_ =	shalt  }
0x75: {  	_ =	shalt  }
0x76: {  	_ =	shalt  }
0x77: {  	_ =	shalt  }
0x78: {  	_ =	shalt  }
0x79: {  	_ =	shalt  }
0x7a: {  	_ =	shalt  }
0x7b: {  	_ =	shalt  }
0x7c: {  	_ =	shalt  }
0x7d: {  	_ =	shalt  }
0x7e: {  	_ =	shalt  }
0x7f: {  	_ =	shalt  }
0x80: {  	_ =	shalt  }
0x81: {  	_ =	shalt  }
0x82: {  	_ =	shalt  }
0x83: {  	_ =	shalt  }
0x84: {  	_ =	shalt  }
0x85: {  	_ =	shalt  }
0x86: {  	_ =	shalt  }
0x87: {  	_ =	shalt  }
.Lfunc_end0:
.L_simem_size_0:
called_computation.1_lowered:
.L_overlay_start_0:
0x88: {  	s2 =	sld [smem:$0x3FD9]  }
0x89: {  	s3 =	sld [smem:$0x3FFE];
	_ =	sdelay $0x1  }
0x8a: {  	s1 =	srdreg.scid  }
0x8b: {  	s0 =	sand.u32 $0x1, s1  }
0x8c: {  	s16 =	sshll.u32 s0, $0xA;
	s2 =	sadd.s32 s3, s2  }
0x8d: {  	s2 =	sadd.s32 s2, s16  }
0x8e: {  	[smem:$0x3FC0] =	sst s2  }
0x8f: {  	_ = 	snop  }
0x90: {  	(tm) =	ssettm $0x1  }
0x91: {  	s17 =	sld [smem:$0x3FFB];
	_ =	sdelay $0x3  }
0x92: {  	_ =	strace s17  }
0x93: {  	s2 =	sld [smem:$0x3FFC];
	_ =	sdelay $0x3  }
0x94: {  	_ =	strace s2  }
0x95: {  	s2 =	sld [smem:$0x3FFD];
	_ =	sdelay $0x3  }
0x96: {  	_ =	strace s2  }
0x97: {  	_ =	strace $0x8FFFFFFF  }
0x98: {  	s18 =	sld [smem:$0x3FDB];
	_ =	sdelay $0x1  }
0x99: {  	s19 =	simm.s32 $_scs_section_size  }
0x9a: {  	s4 =	simm.s32 $_size__tile_overlayer_lowered;
	s5 =	simm.s32 $_tile_overlayer_lowered  }
0x9b: {  	s22 =	simm.s32 $0x1BFF;
	s21 =	sshll.u32 s5, $0x1;
	s2 =	sadd.s32 s19, s18  }
0x9c: {  	s6 =	simm.s32 $0x0;
	s20 =	sshll.u32 s4, $0x1;
	s4 =	sadd.s32 s21, s2  }
0x9d: {  	[timem:s6], [sflag:s22] =	dma.local [hbm:s4], s20  }
0x9e: {  	_ =	swait.ge [sflag:s22], s20  }
0x9f: {  	s3 =	ssub.s32 $0x0, s20;
	[sflag:s22] =	ssyncset.done $0x0  }
0xa0: {  	[sflag:s22] =	ssyncadd.s32 s3;
	_ =	sdelay $0x1  }
0xa1: {  	s23 =	simm.s32 $0x1B8B  }
0xa2: {  	_ =	swait.ge [sflag:s23], $0x1  }
0xa3: {  	[sflag:s23] =	ssyncset.done $0x0  }
0xa4: {  	s25 =	simm.s32 $0x1B8E;
	s24 =	sld [smem:$0x3FFE];
	[sflag:s23] =	ssyncadd.s32 $0xFFFFFFFF  }
0xa5: {  	s26 =	simm.s32 $execute0_lowered;
	[smem:$0x3FD2] =	sst s25  }
0xa6: {  	s4 =	sshll.u32 s26, $0x1;
	_ =	strace $0x80000049;
	[dreg:$0x1] =	wrdreg $0xFFFFFFFF  }
0xa7: {  	s28 =	simm.s32 $_size_execute0_lowered;
	s2 =	sadd.s32 s2, s4;
	[dreg:$0x0] =	wrdreg $0x0  }
0xa8: {  	s4 =	sshll.u32 s28, $0x1;
	[dreg:$0x2] =	wrdreg s2  }
0xa9: {  	[dreg:$0x3] =	wrdreg s4  }
0xaa: {  	[dreg:$0x4] =	wrdreg $0xC0  }
0xab: {  	_ =	task [dreg:s6], $0x5FFFF  }
0xac: {  	[dreg:$0x1] =	wrdreg $0xFFFFFFFF  }
0xad: {  	[dreg:$0x0] =	wrdreg $0x60  }
0xae: {  	[dreg:$0x2] =	wrdreg s24  }
0xaf: {  	[dreg:$0x3] =	wrdreg $0x41000  }
0xb0: {  	[dreg:$0x4] =	wrdreg $0x9  }
0xb1: {  	_ =	task.clear_ibuf [dreg:s6], $0x5FFFF;
	_ =	strace $0x90000049  }
0xb2: {  	s29 =	simm.s32 $0x9;
	_ =	strace $0x8000004B  }
0xb3: {  	_ =	swait.ge [sflag:s29], $0x1  }
0xb4: {  	[sflag:s29] =	ssyncadd.s32 $0xFFFFFFFF  }
0xb5: {  	_ =	strace $0x9000004B  }
0xb6: {  	_ =	sfence  }
0xb7: {  	s30 =	sld [smem:$0x0];
	_ =	sdelay $0x2  }
0xb8: {  	s31 =	sshll.u32 s1, $0xD;
	s1 =	sshrl.u32 s1, $0x2  }
0xb9: {  	s3 =	sand.u32 $0x4000, s31;
	s1 =	sadd.s32 s1, s30  }
0xba: {  	s0 =	sor.u32 s3, s0;
	s1 =	sshll.u32 s1, $0x11  }
0xbb: {  	s0 =	sor.u32 s1, s0  }
0xbc: {  	s0 =	sadd.s32 $0x8F2B, s0  }
0xbd: {  	[sflag:s0] =	ssyncadd.remote.s32 $0x1  }
0xbe: {  	_ =	sfence.sel $0xFFFF  }
0xbf: {  	[dreg:$0x0] =	wrdreg $0xFFFFFFFF;
	(pc) =	sbr.abs _section_cstart, $3  }
0xc0: {  	[dreg:$0x1] =	wrdreg $0xFFFFFFFF  }
0xc1: {  	_ =	task.clear_ibuf [dreg:s6], $0x2FFFF;
	_ =	strace $0x9FFFFFFF  }
0xc2: {  	(tm) =	ssettm $0x7FFFFFFF  }
0xc3: {  	_ =	shalt  }
tec
execute0_lowered:
.L_overlay_start_1:
0x0: {  	(tag) =	ssettag $0x1  }
0x1: {  	s7 =	rddreg [dreg:$0x0];
	s0 =	srdreg.scid  }
0x2: {  	s2 =	rddreg [dreg:$0x1];
	s1 =	stileid.u32  }
0x3: {  	s3 =	simm.s32 $0x0;
	s19 =	simm.s32 $0x100;
	s8 =	smul.u32 $0x280, s1  }
0x4: {  	s20 =	simm.s32 $0x2;
	s21 =	simm.s32 $0x80;
	s10 =	smul.u32 $0x50000, s1  }
0x5: {  	s22 =	simm.s32 $0x1;
	s6 =	sand.u32 $0x1, s0;
	s18 =	smul.u32 $0x4F0, s1  }
0x6: {  	s23 =	simm.s32 $0x0;
	s0 =	rddreg [dreg:$0x2];
	s5 =	smul.u32 $0x4F00, s6  }
0x7: {  	[smem:$0x7FF] =	sst s3;
	s4 =	sadd.s32 $0x16800, s7;
	s9 =	smul.u32 $0x2800, s6  }
0x8: {  	_ =	strace $0x8000004A;
	s29 =	ssub.s32 $0x2, s6;
	s30 =	sshrl.u32 s10, $0x2  }
0x9: {  	s31 =	sshrl.u32 s29, $0x1;
	s15 =	sadd.s32 s5, s7;
	s5 =	sadd.s32 $0x16000, s7  }
0xa: {  	s8 =	sadd.s32 s8, s9;
	s6 =	sadd.s32 s30, s2;
	s17 =	ssub.s32 s29, s31  }
0xb: {  	s8 =	sshll.u32 s8, $0x4;
	s9 =	sadd.s32 $0xC000, s6;
	s10 =	sadd.s32 $0x10000, s6  }
0xc: {  	s18 =	sadd.s32 s18, s15;
	s16 =	sadd.s32 s8, s7;
	s7 =	sadd.s32 $0x4000, s6  }
0xd: {  	s8 =	sadd.s32 $0x8000, s6;
	s11 =	sadd.s32 $0x3DA00, s16;
	s12 =	sadd.s32 $0x3E200, s16  }
0xe: {  	s13 =	sadd.s32 $0x3EA00, s16;
	s14 =	sadd.s32 $0x3F200, s16;
	s15 =	sadd.s32 $0x3FA00, s16  }
0xf: {  	s16 =	smax.u32 s17, $0x1;
	s17 =	sadd.s32 $0x2200, s18;
	s18 =	sadd.s32 $0xC000, s18  }
.LBB2_1:
0x10: {  	[tilespmem:s19], [sflag:$0x2] =	stream.linear.gather [hbm4b:s5+s3], $0x4000, $0x38;
	[tilespmem:$0x18100] =	vst v63  }
0x11: {  	_ =	swait.ge [sflag:s20], $0x4000  }
0x12: {  	[sflag:s20] =	ssyncset.done $0x0  }
0x13: {  	[sflag:s20] =	ssyncadd.s32 $0xFFFFC000  }
0x14: {  	[spmem:s6] =	stream.linear.scatter [tilespmem:s19], [sflag:$0x2], $0x4000, $0x38;
	[tilespmem:$0x18100] =	vst v63  }
0x15: {  	_ =	swait.ge [sflag:s20], $0x4000  }
0x16: {  	[sflag:s20] =	ssyncset.done $0x0  }
0x17: {  	[sflag:s20] =	ssyncadd.s32 $0xFFFFC000  }
0x18: {  	[spmem:s7] =	stream.linear.scatter [tilespmem:s19], [sflag:$0x2], $0x4000, $0x38;
	[tilespmem:$0x18100] =	vst v63  }
0x19: {  	_ =	swait.ge [sflag:s20], $0x4000  }
0x1a: {  	[sflag:s20] =	ssyncset.done $0x0  }
0x1b: {  	[sflag:s20] =	ssyncadd.s32 $0xFFFFC000  }
0x1c: {  	[spmem:s8] =	stream.linear.scatter [tilespmem:s19], [sflag:$0x2], $0x4000, $0x38;
	[tilespmem:$0x18100] =	vst v63  }
0x1d: {  	_ =	swait.ge [sflag:s20], $0x4000  }
0x1e: {  	[sflag:s20] =	ssyncset.done $0x0  }
0x1f: {  	[sflag:s20] =	ssyncadd.s32 $0xFFFFC000  }
0x20: {  	[spmem:s9] =	stream.linear.scatter [tilespmem:s19], [sflag:$0x2], $0x4000, $0x38;
	[tilespmem:$0x18100] =	vst v63  }
0x21: {  	_ =	swait.ge [sflag:s20], $0x4000  }
0x22: {  	[sflag:s20] =	ssyncset.done $0x0  }
0x23: {  	[sflag:s20] =	ssyncadd.s32 $0xFFFFC000  }
0x24: {  	[spmem:s10] =	stream.linear.scatter [tilespmem:s19], [sflag:$0x2], $0x4000, $0x38;
	[tilespmem:$0x18100] =	vst v63  }
0x25: {  	_ =	swait.ge [sflag:s20], $0x4000  }
0x26: {  	[sflag:s20] =	ssyncset.done $0x0  }
0x27: {  	[sflag:s20] =	ssyncadd.s32 $0xFFFFC000  }
0x28: {  	s24 =	sadd.s32 $0x0, s18;
	[bflag:$0x0] =	sbarrier.arrive $0xFFFF  }
0x29: {  	[tilespmem:s3], [sflag:$0x2] =	stream.linear.gather [hbm4b:s24+s3], $0x80, $0x38;
	[tilespmem:$0x18100] =	vst v63  }
0x2a: {  	_ =	swait.ge [sflag:s20], $0x80  }
0x2b: {  	[sflag:s20] =	ssyncset.done $0x0  }
0x2c: {  	s31 =	sadd.s32 $0x0, s17;
	[sflag:s20] =	ssyncadd.s32 $0xFFFFFF80  }
0x2d: {  	[tilespmem:s21], [sflag:$0x2] =	stream.linear.gather [hbm4b:s31+s3], $0x80, $0x38;
	[tilespmem:$0x18100] =	vst v63  }
0x2e: {  	_ =	swait.ge [sflag:s20], $0x80  }
0x2f: {  	[sflag:s20] =	ssyncset.done $0x0  }
0x30: {  	[sflag:s20] =	ssyncadd.s32 $0xFFFFFF80  }
0x31: {  	[tilespmem:s19], [sflag:$0x1] =	stream.indirect.gather [hbm4b:s4+s21], $0x80, s3, s21, $0xb8;
	[tilespmem:$0x18100] =	vst v63  }
0x32: {  	_ =	swait.ge [sflag:s22], $0x4000  }
0x33: {  	[sflag:s22] =	ssyncset.done $0x0  }
0x34: {  	[sflag:s22] =	ssyncadd.s32 $0xFFFFC000  }
0x35: {  	[spmem:s2] =	stream.indirect.scatter.add.f32 [tilespmem:s19], [sflag:$0x2], $0x80, s21, s21, $0xb8;
	[tilespmem:$0x18100] =	vst v63  }
0x36: {  	_ =	swait.ge [sflag:s20], $0x4000  }
0x37: {  	s25 =	simm.s32 $0x20;
	s24 =	simm.s32 $0x10;
	[sflag:s20] =	ssyncset.done $0x0  }
.LBB2_2:
0x38: {  	s26 =	sadd.s32 s24, s18  }
0x39: {  	[sflag:s20] =	ssyncadd.s32 $0xFFFFC000;
	s28 =	smov.u32 s25;
	s29 =	sadd.s32 $0x10, s25  }
0x3a: {  	[tilespmem:s3], [sflag:$0x2] =	stream.linear.gather [hbm4b:s26+s3], $0x80, $0x38;
	[tilespmem:$0x18100] =	vst v63  }
0x3b: {  	p0 =	sne.s32 s25, $0x4E0;
	_ =	swait.ge [sflag:s20], $0x80  }
0x3c: {  	[sflag:s20] =	ssyncset.done $0x0  }
0x3d: {  	s25 =	sadd.s32 s24, s17;
	s24 =	smov.u32 s28;
	[sflag:s20] =	ssyncadd.s32 $0xFFFFFF80  }
0x3e: {  	[tilespmem:s21], [sflag:$0x2] =	stream.linear.gather [hbm4b:s25+s3], $0x80, $0x38;
	[tilespmem:$0x18100] =	vst v63  }
0x3f: {  	_ =	swait.ge [sflag:s20], $0x80  }
0x40: {  	[sflag:s20] =	ssyncset.done $0x0  }
0x41: {  	[sflag:s20] =	ssyncadd.s32 $0xFFFFFF80  }
0x42: {  	[tilespmem:s19], [sflag:$0x1] =	stream.indirect.gather [hbm4b:s4+s21], $0x80, s3, s21, $0xb8;
	[tilespmem:$0x18100] =	vst v63  }
0x43: {  	_ =	swait.ge [sflag:s22], $0x4000  }
.Ltmp0:
0x44: {  	[sflag:s22] =	ssyncset.done $0x0;
	(pc) =	sbr.rel @p0 .LBB2_2-.Ltmp0, $4  }
0x45: {  	[sflag:s22] =	ssyncadd.s32 $0xFFFFC000  }
0x46: {  	[spmem:s2] =	stream.indirect.scatter.add.f32 [tilespmem:s19], [sflag:$0x2], $0x80, s21, s21, $0xb8;
	[tilespmem:$0x18100] =	vst v63  }
0x47: {  	_ =	swait.ge [sflag:s20], $0x4000  }
0x48: {  	s25 =	smov.u32 s29;
	[sflag:s20] =	ssyncset.done $0x0  }
0x49: {  	s25 =	sadd.s32 s24, s18;
	[sflag:s20] =	ssyncadd.s32 $0xFFFFC000  }
0x4a: {  	[tilespmem:s3], [sflag:$0x2] =	stream.linear.gather [hbm4b:s25+s3], $0x80, $0x38;
	[tilespmem:$0x18100] =	vst v63  }
0x4b: {  	_ =	swait.ge [sflag:s20], $0x80  }
0x4c: {  	[sflag:s20] =	ssyncset.done $0x0  }
0x4d: {  	s31 =	sadd.s32 s24, s17;
	[sflag:s20] =	ssyncadd.s32 $0xFFFFFF80  }
0x4e: {  	[tilespmem:s21], [sflag:$0x2] =	stream.linear.gather [hbm4b:s31+s3], $0x80, $0x38;
	[tilespmem:$0x18100] =	vst v63  }
0x4f: {  	_ =	swait.ge [sflag:s20], $0x80  }
0x50: {  	[sflag:s20] =	ssyncset.done $0x0  }
0x51: {  	[sflag:s20] =	ssyncadd.s32 $0xFFFFFF80  }
0x52: {  	[tilespmem:s19], [sflag:$0x1] =	stream.indirect.gather [hbm4b:s4+s21], $0x80, s3, s21, $0xb8;
	[tilespmem:$0x18100] =	vst v63  }
0x53: {  	_ =	swait.ge [sflag:s22], $0x4000  }
0x54: {  	[sflag:s22] =	ssyncset.done $0x0  }
0x55: {  	[sflag:s22] =	ssyncadd.s32 $0xFFFFC000  }
0x56: {  	[spmem:s2] =	stream.indirect.scatter.add.f32 [tilespmem:s19], [sflag:$0x2], $0x80, s21, s21, $0xb8;
	[tilespmem:$0x18100] =	vst v63  }
0x57: {  	_ =	swait.ge [sflag:s20], $0x4000  }
0x58: {  	[sflag:s20] =	ssyncset.done $0x0  }
0x59: {  	[sflag:s20] =	ssyncadd.s32 $0xFFFFC000  }
0x5a: {  	[bflag:$0x0] =	sbarrier.arrive $0xFFFF  }
0x5b: {  	[tilespmem:s19], [sflag:$0x2] =	stream.linear.gather [spmem:s6], $0x4000, $0x38;
	[tilespmem:$0x18100] =	vst v63  }
0x5c: {  	_ =	swait.ge [sflag:s20], $0x4000  }
0x5d: {  	[sflag:s20] =	ssyncset.done $0x0  }
0x5e: {  	[sflag:s20] =	ssyncadd.s32 $0xFFFFC000  }
0x5f: {  	[hbm4b:s11+s3] =	stream.linear.scatter [tilespmem:s19], [sflag:$0x2], $0x4000, $0x38;
	[tilespmem:$0x18100] =	vst v63  }
0x60: {  	_ =	swait.ge [sflag:s20], $0x4000  }
0x61: {  	[sflag:s20] =	ssyncset.done $0x0  }
0x62: {  	[sflag:s20] =	ssyncadd.s32 $0xFFFFC000  }
0x63: {  	[tilespmem:s19], [sflag:$0x2] =	stream.linear.gather [spmem:s7], $0x4000, $0x38;
	[tilespmem:$0x18100] =	vst v63  }
0x64: {  	_ =	swait.ge [sflag:s20], $0x4000  }
0x65: {  	[sflag:s20] =	ssyncset.done $0x0  }
0x66: {  	[sflag:s20] =	ssyncadd.s32 $0xFFFFC000  }
0x67: {  	[hbm4b:s12+s3] =	stream.linear.scatter [tilespmem:s19], [sflag:$0x2], $0x4000, $0x38;
	[tilespmem:$0x18100] =	vst v63  }
0x68: {  	_ =	swait.ge [sflag:s20], $0x4000  }
0x69: {  	[sflag:s20] =	ssyncset.done $0x0  }
0x6a: {  	[sflag:s20] =	ssyncadd.s32 $0xFFFFC000  }
0x6b: {  	[tilespmem:s19], [sflag:$0x2] =	stream.linear.gather [spmem:s8], $0x4000, $0x38;
	[tilespmem:$0x18100] =	vst v63  }
0x6c: {  	_ =	swait.ge [sflag:s20], $0x4000  }
0x6d: {  	[sflag:s20] =	ssyncset.done $0x0  }
0x6e: {  	[sflag:s20] =	ssyncadd.s32 $0xFFFFC000  }
0x6f: {  	[hbm4b:s13+s3] =	stream.linear.scatter [tilespmem:s19], [sflag:$0x2], $0x4000, $0x38;
	[tilespmem:$0x18100] =	vst v63  }
0x70: {  	_ =	swait.ge [sflag:s20], $0x4000  }
0x71: {  	[sflag:s20] =	ssyncset.done $0x0  }
0x72: {  	[sflag:s20] =	ssyncadd.s32 $0xFFFFC000  }
0x73: {  	[tilespmem:s19], [sflag:$0x2] =	stream.linear.gather [spmem:s9], $0x4000, $0x38;
	[tilespmem:$0x18100] =	vst v63  }
0x74: {  	_ =	swait.ge [sflag:s20], $0x4000  }
0x75: {  	[sflag:s20] =	ssyncset.done $0x0  }
0x76: {  	[sflag:s20] =	ssyncadd.s32 $0xFFFFC000  }
0x77: {  	[hbm4b:s14+s3] =	stream.linear.scatter [tilespmem:s19], [sflag:$0x2], $0x4000, $0x38;
	[tilespmem:$0x18100] =	vst v63  }
0x78: {  	_ =	swait.ge [sflag:s20], $0x4000  }
0x79: {  	[sflag:s20] =	ssyncset.done $0x0  }
0x7a: {  	[sflag:s20] =	ssyncadd.s32 $0xFFFFC000  }
0x7b: {  	[tilespmem:s19], [sflag:$0x2] =	stream.linear.gather [spmem:s10], $0x4000, $0x38;
	[tilespmem:$0x18100] =	vst v63  }
0x7c: {  	s23 =	sadd.s32 $0x1, s23;
	_ =	swait.ge [sflag:s20], $0x4000  }
0x7d: {  	p0 =	sne.s32 s23, s16;
	[sflag:s20] =	ssyncset.done $0x0  }
.Ltmp1:
0x7e: {  	[sflag:s20] =	ssyncadd.s32 $0xFFFFC000;
	(pc) =	sbr.rel @p0 .LBB2_1-.Ltmp1, $4  }
0x7f: {  	[hbm4b:s15+s3] =	stream.linear.scatter [tilespmem:s19], [sflag:$0x2], $0x4000, $0x38;
	[tilespmem:$0x18100] =	vst v63  }
0x80: {  	_ =	swait.ge [sflag:s20], $0x4000  }
0x81: {  	[sflag:s20] =	ssyncset.done $0x0  }
0x82: {  	[sflag:s20] =	ssyncadd.s32 $0xFFFFC000  }
0x83: {  	_ =	sfence.sel $0x180000  }
0x84: {  	[bflag:$0x0] =	sbarrier.arrive $0xFFFF  }
0x85: {  	p0 =	sne.s32 s1, $0x0;
	_ =	strace $0x9000004A  }
0x86: {  	s0 =	sadd.s32 @!p0 $0x100000, s0;
	[bflag:$0x2] =	sbarrier.arrive $0xFFFF  }
0x87: {  	[sflag:s0] =	ssyncadd.tile.s32 @!p0 $0x1;
	_ =	shalt  }
.Lfunc_end2:
_tile_overlayer_lowered:
.L_overlay_start_2:
0x88: {  	(tag) =	ssettag $0x2  }
0x89: {  	s0 =	rddreg [dreg:$0x0];
	s2 =	stileid.u32  }
0x8a: {  	s1 =	rddreg [dreg:$0x1];
	p0 =	sne.s32 s2, $0x0  }
0x8b: {  	s3 =	rddreg [dreg:$0x2];
	[bflag:$0x3] =	sbarrier.arrive $0xFFFF;
	s2 =	simm.s32 @!p0 $0x1C02  }
0x8c: {  	[timem:s3], [sflag:s2] =	dma.local @!p0 [hbm:s0], s1  }
0x8d: {  	s0 =	simm.s32 @!p0 $0x2  }
0x8e: {  	_ =	swait.ge @!p0 [sflag:s0], s1  }
0x8f: {  	s1 =	ssub.s32 @!p0 $0x0, s1;
	[sflag:s0] =	ssyncset.done @!p0 $0x0  }
0x90: {  	[sflag:s0] =	ssyncadd.s32 @!p0 s1  }
0x91: {  	[bflag:$0x3] =	sbarrier.arrive $0xFFFF  }
0x92: {  	_ =	shalt  }

</sc_bundles>
